<compile_context>
chip_gen: v7x
topology: tpu7x:2x2x1
jax: 0.10.2.dev20260603
libtpu: 0.0.44.dev20260713+nightly
codegen_flags: <defaults>
</compile_context>

<pallas_src>
import functools

import jax
import jax.numpy as jnp
from jax import lax
from jax.experimental import pallas as pl
from jax.experimental.pallas import tpu as pltpu
from jax.experimental.pallas import tpu_sc as plsc

N = 2048
D = 768
H = 512
E = 8
F4 = 3072
TILE = 272
NT = 14
ROWS = NT * TILE

_NC = 2
_NW = _NC * 16
CHUNK = N // _NW

_NT_DIMS = (((1,), (1,)), ((), ()))


def _gelu_exact(v):
    return 0.5 * v * (1.0 + lax.erf(v * (2.0 ** -0.5)))



def _router_body(x_ref, wr1_ref, br1_ref, wr2_ref, br2_ref,
                 pos_ref, wgt_ref, meta_ref):
    x = x_ref[...]
    h = lax.dot_general(x, wr1_ref[...], _NT_DIMS,
                        preferred_element_type=jnp.float32)
    h = _gelu_exact(h + br1_ref[...])
    lg = lax.dot_general(h, wr2_ref[...], _NT_DIMS,
                         preferred_element_type=jnp.float32)
    lg = lg + br2_ref[...]
    lmax = jnp.max(lg, axis=1, keepdims=True)
    wgt = 1.0 / jnp.sum(jnp.exp(lg - lmax), axis=1, keepdims=True)
    wgt_ref[...] = jnp.broadcast_to(wgt, (N, 128))
    le = lax.broadcasted_iota(jnp.int32, (N, E), 1)
    eid = jnp.min(jnp.where(lg == lmax, le, E), axis=1, keepdims=True)

    oh = (eid == le).astype(jnp.float32)
    ri = lax.broadcasted_iota(jnp.int32, (N, N), 0)
    ci = lax.broadcasted_iota(jnp.int32, (N, N), 1)
    tril = (ri >= ci).astype(jnp.float32)
    c = jnp.dot(tril, oh, preferred_element_type=jnp.float32)
    rank = jnp.sum(oh * c, axis=1, keepdims=True) - 1.0
    counts = c[N - 1:N, :]
    nt = jnp.floor((counts + (TILE - 1)) * (1.0 / TILE))
    ui = lax.broadcasted_iota(jnp.int32, (E, E), 0)
    uj = lax.broadcasted_iota(jnp.int32, (E, E), 1)
    triu = (ui <= uj).astype(jnp.float32)
    cum = jnp.dot(nt, triu, preferred_element_type=jnp.float32)
    poff = (cum - nt) * float(TILE)
    pos = jnp.sum(oh * poff, axis=1, keepdims=True) + rank
    pos_ref[...] = pos.astype(jnp.int32)

    meta_ref[...] = jnp.concatenate(
        [(cum - nt).astype(jnp.int32), nt.astype(jnp.int32)], axis=1)


def _router_call(xf, Wr1, br1, Wr2, br2):
    return pl.pallas_call(
        _router_body,
        out_shape=(
            jax.ShapeDtypeStruct((N, 1), jnp.int32),
            jax.ShapeDtypeStruct((N, 128), jnp.float32),
            jax.ShapeDtypeStruct((1, 2 * E), jnp.int32),
        ),
    )(xf, Wr1, br1.reshape(1, H), Wr2, br2.reshape(1, E))



@functools.cache
def _make_dispatch():
    mesh = plsc.VectorSubcoreMesh(core_axis_name="c", subcore_axis_name="s")

    @functools.partial(
        pl.kernel,
        mesh=mesh,
        out_type=[
            jax.ShapeDtypeStruct((ROWS, D), jnp.float32),
            jax.ShapeDtypeStruct((ROWS, 128), jnp.float32),
        ],
        scratch_types=[
            pltpu.VMEM((CHUNK,), jnp.int32),
            pltpu.VMEM((CHUNK, D), jnp.float32),
            pltpu.VMEM((CHUNK, 128), jnp.float32),
            pltpu.SemaphoreType.DMA,
            pltpu.SemaphoreType.DMA,
        ],
    )
    def _dispatch(x_hbm, pos_hbm, w_hbm, xs_hbm, ws_hbm,
                  posbuf, xbuf, wbuf, sem_in, sem_out):
        wid = lax.axis_index("s") * _NC + lax.axis_index("c")
        base = wid * CHUNK
        ld_pos = pltpu.async_copy(pos_hbm.at[pl.ds(base, CHUNK)], posbuf, sem_in)
        ld_x = pltpu.async_copy(x_hbm.at[pl.ds(base, CHUNK)], xbuf, sem_in)
        ld_w = pltpu.async_copy(w_hbm.at[pl.ds(base, CHUNK)], wbuf, sem_in)
        ld_pos.wait()
        ld_x.wait()
        ld_w.wait()
        st_x = pltpu.async_copy(xbuf, xs_hbm.at[posbuf], sem_out)
        st_w = pltpu.async_copy(wbuf, ws_hbm.at[posbuf], sem_out)
        st_x.wait()
        st_w.wait()

    return _dispatch



def _ffn_body(meta_ref, xs_ref, w1_ref, b1_ref, w2_ref, b2_ref, ws_ref,
              ys_ref):
    e = pl.program_id(0)
    start = meta_ref[e]
    ntiles = meta_ref[E + e]

    def tile_body(k, carry):
        r0 = (start + k) * TILE
        xt = xs_ref[pl.ds(r0, TILE), :]
        h = lax.dot_general(xt, w1_ref[0], _NT_DIMS,
                            preferred_element_type=jnp.float32)
        h = _gelu_exact(h + b1_ref[0])
        y = lax.dot_general(h, w2_ref[0], _NT_DIMS,
                            preferred_element_type=jnp.float32)
        y = y + b2_ref[0]
        wrow = jnp.max(ws_ref[pl.ds(r0, TILE), :], axis=1, keepdims=True)
        ys_ref[pl.ds(r0, TILE), :] = y * wrow
        return carry

    lax.fori_loop(0, ntiles, tile_body, 0)


def _ffn_call(meta, xs, W1, b1, W2, b2, ws):
    grid_spec = pltpu.PrefetchScalarGridSpec(
        num_scalar_prefetch=1,
        grid=(E,),
        in_specs=[
            pl.BlockSpec((ROWS, D), lambda e, m: (0, 0)),
            pl.BlockSpec((1, F4, D), lambda e, m: (e, 0, 0)),
            pl.BlockSpec((1, 1, F4), lambda e, m: (e, 0, 0)),
            pl.BlockSpec((1, D, F4), lambda e, m: (e, 0, 0)),
            pl.BlockSpec((1, 1, D), lambda e, m: (e, 0, 0)),
            pl.BlockSpec((ROWS, 128), lambda e, m: (0, 0)),
        ],
        out_specs=pl.BlockSpec((ROWS, D), lambda e, m: (0, 0)),
    )
    return pl.pallas_call(
        _ffn_body,
        grid_spec=grid_spec,
        out_shape=jax.ShapeDtypeStruct((ROWS, D), jnp.float32),
        compiler_params=pltpu.CompilerParams(
            vmem_limit_bytes=112 * 1024 * 1024),
    )(meta, xs, W1, b1.reshape(E, 1, F4), W2, b2.reshape(E, 1, D), ws)



@functools.cache
def _make_combine():
    mesh = plsc.VectorSubcoreMesh(core_axis_name="c", subcore_axis_name="s")

    @functools.partial(
        pl.kernel,
        mesh=mesh,
        out_type=jax.ShapeDtypeStruct((N, D), jnp.float32),
        scratch_types=[
            pltpu.VMEM((CHUNK,), jnp.int32),
            pltpu.VMEM((CHUNK, D), jnp.float32),
            pltpu.SemaphoreType.DMA,
        ],
    )
    def _combine(ys_hbm, pos_hbm, out_hbm, posbuf, ybuf, sem):
        wid = lax.axis_index("s") * _NC + lax.axis_index("c")
        base = wid * CHUNK
        pltpu.sync_copy(pos_hbm.at[pl.ds(base, CHUNK)], posbuf)
        pltpu.async_copy(ys_hbm.at[posbuf], ybuf, sem).wait()
        pltpu.sync_copy(ybuf, out_hbm.at[pl.ds(base, CHUNK)])

    return _combine



def kernel(x, Wr1, br1, Wr2, br2, W1, b1, W2, b2):
    B, S, _ = x.shape
    xf = x.reshape(N, D)

    pos2, wgt2, meta2 = _router_call(xf, Wr1, br1, Wr2, br2)
    pos = pos2.reshape(N)
    meta = meta2.reshape(2 * E)

    xs, ws = _make_dispatch()(xf, pos, wgt2)
    ys = _ffn_call(meta, xs, W1, b1, W2, b2, ws)
    out = _make_combine()(ys, pos)
    return out.reshape(B, S, D)

# --- scband reference (transcript-rebuilt; emitter-appended) ---
"""Pipeline reference for scband-sparse-expert-router-84963043049701 (READ-ONLY COPY).

The authoritative reference and input builder live on the scoring server;
editing this copy changes nothing except your own understanding.
"""

import jax, jax.numpy as jnp
import numpy as np


def _gelu(x):
    # torch nn.GELU default is the exact (erf) form
    return jax.nn.gelu(x, approximate=False)


def setup_inputs(seed: int = 0) -> dict:
    key = jax.random.key(seed)
    ks = jax.random.split(key, 6)
    B, S, D = 1, 2048, 768
    E, H, F4 = 8, 512, 4 * 768
    x = jax.random.normal(ks[0], (B, S, D), dtype=jnp.float32)
    # router: Linear(D,512) -> GELU -> Linear(512,E); torch Linear: y = x @ W.T + b
    Wr1 = jax.random.normal(ks[1], (H, D), dtype=jnp.float32) * 0.02
    br1 = jnp.zeros((H,), dtype=jnp.float32)
    Wr2 = jax.random.normal(ks[2], (E, H), dtype=jnp.float32) * 0.02
    br2 = jnp.zeros((E,), dtype=jnp.float32)
    # experts: stacked Linear(D,4D) -> GELU -> Linear(4D,D)
    W1 = jax.random.normal(ks[3], (E, F4, D), dtype=jnp.float32) * 0.02
    b1 = jnp.zeros((E, F4), dtype=jnp.float32)
    W2 = jax.random.normal(ks[4], (E, D, F4), dtype=jnp.float32) * 0.02
    b2 = jnp.zeros((E, D), dtype=jnp.float32)
    return {"x": x, "Wr1": Wr1, "br1": br1, "Wr2": Wr2, "br2": br2,
            "W1": W1, "b1": b1, "W2": W2, "b2": b2}


def reference(x, Wr1, br1, Wr2, br2, W1, b1, W2, b2):
    TOP_K = 1
    B, S, D = x.shape
    E = Wr2.shape[0]
    x_flat = x.reshape(-1, D)  # [N, D]
    # router
    hr = _gelu(x_flat @ Wr1.T + br1)
    router_logits = hr @ Wr2.T + br2  # [N, E]
    probs = jax.nn.softmax(router_logits, axis=-1)
    routing_weights, selected_experts = jax.lax.top_k(probs, TOP_K)  # [N, k]
    # combine weights: sum over top-k slots of weight * one_hot(expert)
    combine = jnp.sum(
        jax.nn.one_hot(selected_experts, E, dtype=x_flat.dtype)
        * routing_weights[..., None],
        axis=1,
    )  # [N, E]
    # dense-masked expert computation (mathematically identical to the
    # torch per-expert gather/scatter_add loop: unselected experts get
    # combine weight 0 so they contribute nothing)
    h1 = _gelu(jnp.einsum('nd,efd->nef', x_flat, W1) + b1[None, :, :])  # [N, E, 4D]
    expert_out = jnp.einsum('nef,edf->ned', h1, W2) + b2[None, :, :]   # [N, E, D]
    final_output = jnp.einsum('ne,ned->nd', combine, expert_out)      # [N, D]
    return final_output.reshape(B, S, D)

if __name__ == "__main__":
    import jax
    _d = setup_inputs()
    print(jax.jit(kernel)(*tuple(_d.values())))

</pallas_src>

<mosaic_0001>
#map = affine_map<(d0, d1) -> (0, 0)>
#map1 = affine_map<(d0, d1) -> (0)>
module attributes {stable_mosaic.version = 14 : i64} {
  func.func @_dispatch(%arg0: i32, %arg1: i32, %arg2: memref<2048x768xf32, #tpu.memory_space<hbm>>, %arg3: memref<2048xi32, #tpu.memory_space<hbm>>, %arg4: memref<2048x128xf32, #tpu.memory_space<hbm>>, %arg5: memref<3808x768xf32, #tpu.memory_space<hbm>>, %arg6: memref<3808x128xf32, #tpu.memory_space<hbm>>, %arg7: memref<64xi32, #tpu.memory_space<vmem>>, %arg8: memref<64x768xf32, #tpu.memory_space<vmem>>, %arg9: memref<64x128xf32, #tpu.memory_space<vmem>>, %arg10: memref<!tpu.dma_semaphore, #tpu.memory_space<semaphore_mem>>, %arg11: memref<!tpu.dma_semaphore, #tpu.memory_space<semaphore_mem>>) attributes {dimension_semantics = [#tpu.dimension_semantics<core_parallel>, #tpu.dimension_semantics<subcore_parallel>], iteration_bounds = array<i64: 2, 16>, scalar_prefetch = 0 : i64, scratch_operands = 5 : i64, tpu.core_type = #tpu.core_type<sc_vector_subcore>, window_params = [{transform_indices = #map}, {transform_indices = #map1}, {transform_indices = #map}, {transform_indices = #map}, {transform_indices = #map}]} {
    %mul3A = arith.constant 2 : i32
    %mul3A_0 = arith.muli %arg1, %mul3A : i32
    %add3A = arith.addi %mul3A_0, %arg0 : i32
    %mul3A_1 = arith.constant 64 : i32
    %mul3A_2 = arith.muli %add3A, %mul3A_1 : i32
    %dma_start3A = tpu.memref_slice %arg3[%mul3A_2] : memref<2048xi32, #tpu.memory_space<hbm>> -> memref<64xi32, #tpu.memory_space<hbm>>
    %dma_start3A_3 = tpu.memref_slice %arg3[%mul3A_2] : memref<2048xi32, #tpu.memory_space<hbm>> -> memref<64xi32, #tpu.memory_space<hbm>>
    tpu.enqueue_dma source(%dma_start3A_3 : memref<64xi32, #tpu.memory_space<hbm>>) target(%arg7 : memref<64xi32, #tpu.memory_space<vmem>>) target_semaphore(%arg10 : memref<!tpu.dma_semaphore, #tpu.memory_space<semaphore_mem>>)
    %dma_start3A_4 = arith.constant 0 : i32
    %dma_start3A_5 = tpu.memref_slice %arg2[%mul3A_2, %dma_start3A_4] : memref<2048x768xf32, #tpu.memory_space<hbm>> -> memref<64x768xf32, #tpu.memory_space<hbm>>
    %dma_start3A_6 = arith.constant 0 : i32
    %dma_start3A_7 = tpu.memref_slice %arg2[%mul3A_2, %dma_start3A_6] : memref<2048x768xf32, #tpu.memory_space<hbm>> -> memref<64x768xf32, #tpu.memory_space<hbm>>
    tpu.enqueue_dma source(%dma_start3A_7 : memref<64x768xf32, #tpu.memory_space<hbm>>) target(%arg8 : memref<64x768xf32, #tpu.memory_space<vmem>>) target_semaphore(%arg10 : memref<!tpu.dma_semaphore, #tpu.memory_space<semaphore_mem>>)
    %dma_start3A_8 = arith.constant 0 : i32
    %dma_start3A_9 = tpu.memref_slice %arg4[%mul3A_2, %dma_start3A_8] : memref<2048x128xf32, #tpu.memory_space<hbm>> -> memref<64x128xf32, #tpu.memory_space<hbm>>
    %dma_start3A_10 = arith.constant 0 : i32
    %dma_start3A_11 = tpu.memref_slice %arg4[%mul3A_2, %dma_start3A_10] : memref<2048x128xf32, #tpu.memory_space<hbm>> -> memref<64x128xf32, #tpu.memory_space<hbm>>
    tpu.enqueue_dma source(%dma_start3A_11 : memref<64x128xf32, #tpu.memory_space<hbm>>) target(%arg9 : memref<64x128xf32, #tpu.memory_space<vmem>>) target_semaphore(%arg10 : memref<!tpu.dma_semaphore, #tpu.memory_space<semaphore_mem>>)
    %dma_wait3A = tpu.memref_slice %arg3[%mul3A_2] : memref<2048xi32, #tpu.memory_space<hbm>> -> memref<64xi32, #tpu.memory_space<hbm>>
    %dma_wait3A_12 = tpu.memref_slice %arg3[%mul3A_2] : memref<2048xi32, #tpu.memory_space<hbm>> -> memref<64xi32, #tpu.memory_space<hbm>>
    tpu.wait_dma2 semaphore(%arg10 : memref<!tpu.dma_semaphore, #tpu.memory_space<semaphore_mem>>) src(%dma_wait3A_12 : memref<64xi32, #tpu.memory_space<hbm>>) dst(%arg7 : memref<64xi32, #tpu.memory_space<vmem>>)
    %dma_wait3A_13 = arith.constant 0 : i32
    %dma_wait3A_14 = tpu.memref_slice %arg2[%mul3A_2, %dma_wait3A_13] : memref<2048x768xf32, #tpu.memory_space<hbm>> -> memref<64x768xf32, #tpu.memory_space<hbm>>
    %dma_wait3A_15 = arith.constant 0 : i32
    %dma_wait3A_16 = tpu.memref_slice %arg2[%mul3A_2, %dma_wait3A_15] : memref<2048x768xf32, #tpu.memory_space<hbm>> -> memref<64x768xf32, #tpu.memory_space<hbm>>
    tpu.wait_dma2 semaphore(%arg10 : memref<!tpu.dma_semaphore, #tpu.memory_space<semaphore_mem>>) src(%dma_wait3A_16 : memref<64x768xf32, #tpu.memory_space<hbm>>) dst(%arg8 : memref<64x768xf32, #tpu.memory_space<vmem>>)
    %dma_wait3A_17 = arith.constant 0 : i32
    %dma_wait3A_18 = tpu.memref_slice %arg4[%mul3A_2, %dma_wait3A_17] : memref<2048x128xf32, #tpu.memory_space<hbm>> -> memref<64x128xf32, #tpu.memory_space<hbm>>
    %dma_wait3A_19 = arith.constant 0 : i32
    %dma_wait3A_20 = tpu.memref_slice %arg4[%mul3A_2, %dma_wait3A_19] : memref<2048x128xf32, #tpu.memory_space<hbm>> -> memref<64x128xf32, #tpu.memory_space<hbm>>
    tpu.wait_dma2 semaphore(%arg10 : memref<!tpu.dma_semaphore, #tpu.memory_space<semaphore_mem>>) src(%dma_wait3A_20 : memref<64x128xf32, #tpu.memory_space<hbm>>) dst(%arg9 : memref<64x128xf32, #tpu.memory_space<vmem>>)
    %dma_start3A_21 = arith.constant 0 : i32
    %dma_start3A_22 = arith.constant 0 : i32
    %dma_start3A_23 = tpu.memref_slice %arg5[%dma_start3A_21, %dma_start3A_22] : memref<3808x768xf32, #tpu.memory_space<hbm>> -> memref<3808x768xf32, #tpu.memory_space<hbm>>
    tpu.enqueue_indirect_dma source(%arg8 : memref<64x768xf32, #tpu.memory_space<vmem>>) target(%dma_start3A_23 : memref<3808x768xf32, #tpu.memory_space<hbm>>) offsets(%arg7 : memref<64xi32, #tpu.memory_space<vmem>>) semaphore(%arg11 : memref<!tpu.dma_semaphore, #tpu.memory_space<semaphore_mem>>)
    %dma_start3A_24 = arith.constant 0 : i32
    %dma_start3A_25 = arith.constant 0 : i32
    %dma_start3A_26 = tpu.memref_slice %arg6[%dma_start3A_24, %dma_start3A_25] : memref<3808x128xf32, #tpu.memory_space<hbm>> -> memref<3808x128xf32, #tpu.memory_space<hbm>>
    tpu.enqueue_indirect_dma source(%arg9 : memref<64x128xf32, #tpu.memory_space<vmem>>) target(%dma_start3A_26 : memref<3808x128xf32, #tpu.memory_space<hbm>>) offsets(%arg7 : memref<64xi32, #tpu.memory_space<vmem>>) semaphore(%arg11 : memref<!tpu.dma_semaphore, #tpu.memory_space<semaphore_mem>>)
    %dma_wait3A_27 = arith.constant 0 : i32
    %dma_wait3A_28 = arith.constant 0 : i32
    %dma_wait3A_29 = tpu.memref_slice %arg5[%dma_wait3A_27, %dma_wait3A_28] : memref<3808x768xf32, #tpu.memory_space<hbm>> -> memref<3808x768xf32, #tpu.memory_space<hbm>>
    tpu.wait_indirect_dma semaphore(%arg11 : memref<!tpu.dma_semaphore, #tpu.memory_space<semaphore_mem>>) src(%arg8 : memref<64x768xf32, #tpu.memory_space<vmem>>) dst(%dma_wait3A_29 : memref<3808x768xf32, #tpu.memory_space<hbm>>)
    %dma_wait3A_30 = arith.constant 0 : i32
    %dma_wait3A_31 = arith.constant 0 : i32
    %dma_wait3A_32 = tpu.memref_slice %arg6[%dma_wait3A_30, %dma_wait3A_31] : memref<3808x128xf32, #tpu.memory_space<hbm>> -> memref<3808x128xf32, #tpu.memory_space<hbm>>
    tpu.wait_indirect_dma semaphore(%arg11 : memref<!tpu.dma_semaphore, #tpu.memory_space<semaphore_mem>>) src(%arg9 : memref<64x128xf32, #tpu.memory_space<vmem>>) dst(%dma_wait3A_32 : memref<3808x128xf32, #tpu.memory_space<hbm>>)
    return
  }
}

#map = affine_map<(d0, d1) -> (0, 0)>
#map1 = affine_map<(d0, d1) -> (0)>
module attributes {stable_mosaic.version = 14 : i64} {
  func.func @_combine(%arg0: i32, %arg1: i32, %arg2: memref<3808x768xf32, #tpu.memory_space<hbm>>, %arg3: memref<2048xi32, #tpu.memory_space<hbm>>, %arg4: memref<2048x768xf32, #tpu.memory_space<hbm>>, %arg5: memref<64xi32, #tpu.memory_space<vmem>>, %arg6: memref<64x768xf32, #tpu.memory_space<vmem>>, %arg7: memref<!tpu.dma_semaphore, #tpu.memory_space<semaphore_mem>>) attributes {dimension_semantics = [#tpu.dimension_semantics<core_parallel>, #tpu.dimension_semantics<subcore_parallel>], iteration_bounds = array<i64: 2, 16>, scalar_prefetch = 0 : i64, scratch_operands = 3 : i64, tpu.core_type = #tpu.core_type<sc_vector_subcore>, window_params = [{transform_indices = #map}, {transform_indices = #map1}, {transform_indices = #map}]} {
    %mul3A = arith.constant 2 : i32
    %mul3A_0 = arith.muli %arg1, %mul3A : i32
    %add3A = arith.addi %mul3A_0, %arg0 : i32
    %mul3A_1 = arith.constant 64 : i32
    %mul3A_2 = arith.muli %add3A, %mul3A_1 : i32
    "tpu.region"() ({
      %run_scoped3A = tpu.sem_alloc : memref<!tpu.dma_semaphore, #tpu.memory_space<semaphore_mem>>
      %dma_start3A_7 = tpu.memref_slice %arg3[%mul3A_2] : memref<2048xi32, #tpu.memory_space<hbm>> -> memref<64xi32, #tpu.memory_space<hbm>>
      %dma_start3A_8 = tpu.memref_slice %arg3[%mul3A_2] : memref<2048xi32, #tpu.memory_space<hbm>> -> memref<64xi32, #tpu.memory_space<hbm>>
      tpu.enqueue_dma source(%dma_start3A_8 : memref<64xi32, #tpu.memory_space<hbm>>) target(%arg5 : memref<64xi32, #tpu.memory_space<vmem>>) target_semaphore(%run_scoped3A : memref<!tpu.dma_semaphore, #tpu.memory_space<semaphore_mem>>)
      %dma_wait3A_9 = tpu.memref_slice %arg3[%mul3A_2] : memref<2048xi32, #tpu.memory_space<hbm>> -> memref<64xi32, #tpu.memory_space<hbm>>
      %dma_wait3A_10 = tpu.memref_slice %arg3[%mul3A_2] : memref<2048xi32, #tpu.memory_space<hbm>> -> memref<64xi32, #tpu.memory_space<hbm>>
      tpu.wait_dma2 semaphore(%run_scoped3A : memref<!tpu.dma_semaphore, #tpu.memory_space<semaphore_mem>>) src(%dma_wait3A_10 : memref<64xi32, #tpu.memory_space<hbm>>) dst(%arg5 : memref<64xi32, #tpu.memory_space<vmem>>)
      tpu.yield
    }) : () -> ()
    %dma_start3A = arith.constant 0 : i32
    %dma_start3A_3 = arith.constant 0 : i32
    %dma_start3A_4 = tpu.memref_slice %arg2[%dma_start3A, %dma_start3A_3] : memref<3808x768xf32, #tpu.memory_space<hbm>> -> memref<3808x768xf32, #tpu.memory_space<hbm>>
    tpu.enqueue_indirect_dma source(%dma_start3A_4 : memref<3808x768xf32, #tpu.memory_space<hbm>>) target(%arg6 : memref<64x768xf32, #tpu.memory_space<vmem>>) offsets(%arg5 : memref<64xi32, #tpu.memory_space<vmem>>) semaphore(%arg7 : memref<!tpu.dma_semaphore, #tpu.memory_space<semaphore_mem>>)
    %dma_wait3A = arith.constant 0 : i32
    %dma_wait3A_5 = arith.constant 0 : i32
    %dma_wait3A_6 = tpu.memref_slice %arg2[%dma_wait3A, %dma_wait3A_5] : memref<3808x768xf32, #tpu.memory_space<hbm>> -> memref<3808x768xf32, #tpu.memory_space<hbm>>
    tpu.wait_indirect_dma semaphore(%arg7 : memref<!tpu.dma_semaphore, #tpu.memory_space<semaphore_mem>>) src(%dma_wait3A_6 : memref<3808x768xf32, #tpu.memory_space<hbm>>) dst(%arg6 : memref<64x768xf32, #tpu.memory_space<vmem>>)
    "tpu.region"() ({
      %run_scoped3A = tpu.sem_alloc : memref<!tpu.dma_semaphore, #tpu.memory_space<semaphore_mem>>
      %dma_start3A_7 = arith.constant 0 : i32
      %dma_start3A_8 = tpu.memref_slice %arg4[%mul3A_2, %dma_start3A_7] : memref<2048x768xf32, #tpu.memory_space<hbm>> -> memref<64x768xf32, #tpu.memory_space<hbm>>
      %dma_start3A_9 = arith.constant 0 : i32
      %dma_start3A_10 = tpu.memref_slice %arg4[%mul3A_2, %dma_start3A_9] : memref<2048x768xf32, #tpu.memory_space<hbm>> -> memref<64x768xf32, #tpu.memory_space<hbm>>
      tpu.enqueue_dma source(%arg6 : memref<64x768xf32, #tpu.memory_space<vmem>>) target(%dma_start3A_10 : memref<64x768xf32, #tpu.memory_space<hbm>>) target_semaphore(%run_scoped3A : memref<!tpu.dma_semaphore, #tpu.memory_space<semaphore_mem>>)
      %dma_wait3A_11 = arith.constant 0 : i32
      %dma_wait3A_12 = tpu.memref_slice %arg4[%mul3A_2, %dma_wait3A_11] : memref<2048x768xf32, #tpu.memory_space<hbm>> -> memref<64x768xf32, #tpu.memory_space<hbm>>
      %dma_wait3A_13 = arith.constant 0 : i32
      %dma_wait3A_14 = tpu.memref_slice %arg4[%mul3A_2, %dma_wait3A_13] : memref<2048x768xf32, #tpu.memory_space<hbm>> -> memref<64x768xf32, #tpu.memory_space<hbm>>
      tpu.wait_dma2 semaphore(%run_scoped3A : memref<!tpu.dma_semaphore, #tpu.memory_space<semaphore_mem>>) src(%arg6 : memref<64x768xf32, #tpu.memory_space<vmem>>) dst(%dma_wait3A_14 : memref<64x768xf32, #tpu.memory_space<hbm>>)
      tpu.yield
    }) : () -> ()
    return
  }
}

module attributes {stable_mosaic.version = 14 : i64} {
  func.func @_router_body(%arg0: memref<2048x768xf32, #tpu.memory_space<vmem>>, %arg1: memref<512x768xf32, #tpu.memory_space<vmem>>, %arg2: memref<1x512xf32, #tpu.memory_space<vmem>>, %arg3: memref<8x512xf32, #tpu.memory_space<vmem>>, %arg4: memref<1x8xf32, #tpu.memory_space<vmem>>, %arg5: memref<2048x1xi32, #tpu.memory_space<vmem>>, %arg6: memref<2048x128xf32, #tpu.memory_space<vmem>>, %arg7: memref<1x16xi32, #tpu.memory_space<vmem>>) attributes {dimension_semantics = [], scalar_prefetch = 0 : i64, scratch_operands = 0 : i64, tpu.core_type = #tpu.core_type<tc>} {
    %get3A = arith.constant 0 : index
    %get3A_0 = arith.constant 0 : index
    %get3A_1 = vector.load %arg0[%get3A, %get3A_0] : memref<2048x768xf32, #tpu.memory_space<vmem>>, vector<2048x768xf32>
    %get3A_2 = arith.constant 0 : index
    %get3A_3 = arith.constant 0 : index
    %get3A_4 = vector.load %arg1[%get3A_2, %get3A_3] : memref<512x768xf32, #tpu.memory_space<vmem>>, vector<512x768xf32>
    %dot_general3A = arith.constant dense<0.000000e+00> : vector<2048x512xf32>
    %dot_general3A_5 = tpu.matmul %get3A_1, %get3A_4, %dot_general3A {dimension_numbers = #tpu.dot_dimension_numbers<[1], [1], [0], [0], [0, 0, 1, 0], [], []>, transpose_lhs_hint = false} : vector<2048x768xf32>, vector<512x768xf32>, vector<2048x512xf32> -> vector<2048x512xf32>
    %get3A_6 = arith.constant 0 : index
    %get3A_7 = arith.constant 0 : index
    %get3A_8 = vector.load %arg2[%get3A_6, %get3A_7] : memref<1x512xf32, #tpu.memory_space<vmem>>, vector<1x512xf32>
    %add3A = vector.broadcast %get3A_8 : vector<1x512xf32> to vector<2048x512xf32>
    %add3A_9 = arith.addf %dot_general3A_5, %add3A : vector<2048x512xf32>
    %mul3A = arith.constant 5.000000e-01 : f32
    %mul3A_10 = vector.broadcast %mul3A : f32 to vector<2048x512xf32>
    %mul3A_11 = arith.mulf %mul3A_10, %add3A_9 : vector<2048x512xf32>
    %mul3A_12 = arith.constant 0.707106769 : f32
    %mul3A_13 = vector.broadcast %mul3A_12 : f32 to vector<2048x512xf32>
    %mul3A_14 = arith.mulf %add3A_9, %mul3A_13 : vector<2048x512xf32>
    %erf3A = math.erf %mul3A_14 : vector<2048x512xf32>
    %add3A_15 = arith.constant 1.000000e+00 : f32
    %add3A_16 = vector.broadcast %add3A_15 : f32 to vector<2048x512xf32>
    %add3A_17 = arith.addf %add3A_16, %erf3A : vector<2048x512xf32>
    %mul3A_18 = arith.mulf %mul3A_11, %add3A_17 : vector<2048x512xf32>
    %get3A_19 = arith.constant 0 : index
    %get3A_20 = arith.constant 0 : index
    %get3A_21 = vector.load %arg3[%get3A_19, %get3A_20] : memref<8x512xf32, #tpu.memory_space<vmem>>, vector<8x512xf32>
    %dot_general3A_22 = arith.constant dense<0.000000e+00> : vector<2048x8xf32>
    %dot_general3A_23 = tpu.matmul %mul3A_18, %get3A_21, %dot_general3A_22 {dimension_numbers = #tpu.dot_dimension_numbers<[1], [1], [0], [0], [0, 0, 1, 0], [], []>, transpose_lhs_hint = false} : vector<2048x512xf32>, vector<8x512xf32>, vector<2048x8xf32> -> vector<2048x8xf32>
    %get3A_24 = arith.constant 0 : index
    %get3A_25 = arith.constant 0 : index
    %get3A_26 = vector.load %arg4[%get3A_24, %get3A_25] : memref<1x8xf32, #tpu.memory_space<vmem>>, vector<1x8xf32>
    %add3A_27 = vector.broadcast %get3A_26 : vector<1x8xf32> to vector<2048x8xf32>
    %add3A_28 = arith.addf %dot_general3A_23, %add3A_27 : vector<2048x8xf32>
    %reduce_max3A = arith.constant dense<0xFF800000> : vector<2048xf32>
    %reduce_max3A_29 = vector.multi_reduction <maximumf>, %add3A_28, %reduce_max3A [1] : vector<2048x8xf32> to vector<2048xf32>
    %broadcast_in_dim3A = vector.shape_cast %reduce_max3A_29 : vector<2048xf32> to vector<2048x1xf32>
    %sub3A = vector.broadcast %broadcast_in_dim3A : vector<2048x1xf32> to vector<2048x8xf32>
    %sub3A_30 = arith.subf %add3A_28, %sub3A : vector<2048x8xf32>
    %exp3A = math.exp %sub3A_30 : vector<2048x8xf32>
    %reduce_sum3A = arith.constant dense<0.000000e+00> : vector<2048xf32>
    %reduce_sum3A_31 = vector.multi_reduction <add>, %exp3A, %reduce_sum3A [1] : vector<2048x8xf32> to vector<2048xf32>
    %broadcast_in_dim3A_32 = vector.shape_cast %reduce_sum3A_31 : vector<2048xf32> to vector<2048x1xf32>
    %div3A = arith.constant 1.000000e+00 : f32
    %div3A_33 = vector.broadcast %div3A : f32 to vector<2048x1xf32>
    %div3A_34 = arith.divf %div3A_33, %broadcast_in_dim3A_32 : vector<2048x1xf32>
    %broadcast_in_dim3A_35 = vector.shape_cast %div3A_34 : vector<2048x1xf32> to vector<2048x1xf32>
    %broadcast_in_dim3A_36 = vector.broadcast %broadcast_in_dim3A_35 : vector<2048x1xf32> to vector<2048x128xf32>
    %swap3A = arith.constant 0 : index
    %swap3A_37 = arith.constant 0 : index
    %swap3A_38 = vector.load %arg6[%swap3A, %swap3A_37] : memref<2048x128xf32, #tpu.memory_space<vmem>>, vector<2048x128xf32>
    tpu.vector_store %arg6[%swap3A, %swap3A_37], %broadcast_in_dim3A_36 {strides = array<i32>} : memref<2048x128xf32, #tpu.memory_space<vmem>>, vector<2048x128xf32>,
    %iota3A = tpu.iota {dimensions = array<i32: 1>} : vector<2048x8xi32>
    %eq3A = vector.broadcast %broadcast_in_dim3A : vector<2048x1xf32> to vector<2048x8xf32>
    %eq3A_39 = arith.cmpf oeq, %add3A_28, %eq3A : vector<2048x8xf32>
    %jit3A = arith.constant 8 : i32
    %broadcast_in_dim3A_40 = vector.broadcast %jit3A : i32 to vector<2048x8xi32>
    %select_n3A = arith.select %eq3A_39, %iota3A, %broadcast_in_dim3A_40 : vector<2048x8xi1>, vector<2048x8xi32>
    %reduce_min3A = arith.constant dense<2147483647> : vector<2048xi32>
    %reduce_min3A_41 = vector.multi_reduction <minsi>, %select_n3A, %reduce_min3A [1] : vector<2048x8xi32> to vector<2048xi32>
    %broadcast_in_dim3A_42 = vector.shape_cast %reduce_min3A_41 : vector<2048xi32> to vector<2048x1xi32>
    %eq3A_43 = vector.broadcast %broadcast_in_dim3A_42 : vector<2048x1xi32> to vector<2048x8xi32>
    %eq3A_44 = arith.cmpi eq, %eq3A_43, %iota3A : vector<2048x8xi32>
    %convert_element_type3A = arith.extui %eq3A_44 : vector<2048x8xi1> to vector<2048x8xi32>
    %convert_element_type3A_45 = arith.sitofp %convert_element_type3A : vector<2048x8xi32> to vector<2048x8xf32>
    %iota3A_46 = tpu.iota {dimensions = array<i32: 0>} : vector<2048x2048xi32>
    %iota3A_47 = tpu.iota {dimensions = array<i32: 1>} : vector<2048x2048xi32>
    %ge3A = arith.cmpi sge, %iota3A_46, %iota3A_47 : vector<2048x2048xi32>
    %convert_element_type3A_48 = arith.extui %ge3A : vector<2048x2048xi1> to vector<2048x2048xi32>
    %convert_element_type3A_49 = arith.sitofp %convert_element_type3A_48 : vector<2048x2048xi32> to vector<2048x2048xf32>
    %dot_general3A_50 = arith.constant dense<0.000000e+00> : vector<2048x8xf32>
    %dot_general3A_51 = tpu.matmul %convert_element_type3A_49, %convert_element_type3A_45, %dot_general3A_50 {dimension_numbers = #tpu.dot_dimension_numbers<[1], [0], [0], [1], [0, 0, 1, 1], [], []>, transpose_lhs_hint = false} : vector<2048x2048xf32>, vector<2048x8xf32>, vector<2048x8xf32> -> vector<2048x8xf32>
    %mul3A_52 = arith.mulf %convert_element_type3A_45, %dot_general3A_51 : vector<2048x8xf32>
    %reduce_sum3A_53 = arith.constant dense<0.000000e+00> : vector<2048xf32>
    %reduce_sum3A_54 = vector.multi_reduction <add>, %mul3A_52, %reduce_sum3A_53 [1] : vector<2048x8xf32> to vector<2048xf32>
    %broadcast_in_dim3A_55 = vector.shape_cast %reduce_sum3A_54 : vector<2048xf32> to vector<2048x1xf32>
    %sub3A_56 = arith.constant 1.000000e+00 : f32
    %sub3A_57 = vector.broadcast %sub3A_56 : f32 to vector<2048x1xf32>
    %sub3A_58 = arith.subf %broadcast_in_dim3A_55, %sub3A_57 : vector<2048x1xf32>
    %slice3A = vector.extract_strided_slice %dot_general3A_51 {offsets = [2047, 0], sizes = [1, 8], strides = [1, 1]} : vector<2048x8xf32> to vector<1x8xf32>
    %add3A_59 = arith.constant 2.710000e+02 : f32
    %add3A_60 = vector.broadcast %add3A_59 : f32 to vector<1x8xf32>
    %add3A_61 = arith.addf %slice3A, %add3A_60 : vector<1x8xf32>
    %mul3A_62 = arith.constant 0.0036764706 : f32
    %mul3A_63 = vector.broadcast %mul3A_62 : f32 to vector<1x8xf32>
    %mul3A_64 = arith.mulf %add3A_61, %mul3A_63 : vector<1x8xf32>
    %floor3A = math.floor %mul3A_64 : vector<1x8xf32>
    %iota3A_65 = tpu.iota {dimensions = array<i32: 0>} : vector<8x8xi32>
    %iota3A_66 = tpu.iota {dimensions = array<i32: 1>} : vector<8x8xi32>
    %le3A = arith.cmpi sle, %iota3A_65, %iota3A_66 : vector<8x8xi32>
    %convert_element_type3A_67 = arith.extui %le3A : vector<8x8xi1> to vector<8x8xi32>
    %convert_element_type3A_68 = arith.sitofp %convert_element_type3A_67 : vector<8x8xi32> to vector<8x8xf32>
    %dot_general3A_69 = arith.constant dense<0.000000e+00> : vector<1x8xf32>
    %dot_general3A_70 = tpu.matmul %floor3A, %convert_element_type3A_68, %dot_general3A_69 {dimension_numbers = #tpu.dot_dimension_numbers<[1], [0], [0], [1], [0, 0, 1, 1], [], []>, transpose_lhs_hint = false} : vector<1x8xf32>, vector<8x8xf32>, vector<1x8xf32> -> vector<1x8xf32>
    %sub3A_71 = arith.subf %dot_general3A_70, %floor3A : vector<1x8xf32>
    %mul3A_72 = arith.constant 2.720000e+02 : f32
    %mul3A_73 = vector.broadcast %mul3A_72 : f32 to vector<1x8xf32>
    %mul3A_74 = arith.mulf %sub3A_71, %mul3A_73 : vector<1x8xf32>
    %mul3A_75 = vector.broadcast %mul3A_74 : vector<1x8xf32> to vector<2048x8xf32>
    %mul3A_76 = arith.mulf %convert_element_type3A_45, %mul3A_75 : vector<2048x8xf32>
    %reduce_sum3A_77 = arith.constant dense<0.000000e+00> : vector<2048xf32>
    %reduce_sum3A_78 = vector.multi_reduction <add>, %mul3A_76, %reduce_sum3A_77 [1] : vector<2048x8xf32> to vector<2048xf32>
    %broadcast_in_dim3A_79 = vector.shape_cast %reduce_sum3A_78 : vector<2048xf32> to vector<2048x1xf32>
    %add3A_80 = arith.addf %broadcast_in_dim3A_79, %sub3A_58 : vector<2048x1xf32>
    %convert_element_type3A_81 = arith.fptosi %add3A_80 : vector<2048x1xf32> to vector<2048x1xi32>
    %swap3A_82 = arith.constant 0 : index
    %swap3A_83 = arith.constant 0 : index
    %swap3A_84 = vector.load %arg5[%swap3A_82, %swap3A_83] : memref<2048x1xi32, #tpu.memory_space<vmem>>, vector<2048x1xi32>
    tpu.vector_store %arg5[%swap3A_82, %swap3A_83], %convert_element_type3A_81 {strides = array<i32>} : memref<2048x1xi32, #tpu.memory_space<vmem>>, vector<2048x1xi32>,
    %sub3A_85 = arith.subf %dot_general3A_70, %floor3A : vector<1x8xf32>
    %convert_element_type3A_86 = arith.fptosi %sub3A_85 : vector<1x8xf32> to vector<1x8xi32>
    %convert_element_type3A_87 = arith.fptosi %floor3A : vector<1x8xf32> to vector<1x8xi32>
    %concatenate3A = tpu.concatenate %convert_element_type3A_86, %convert_element_type3A_87 in 1 : vector<1x8xi32>, vector<1x8xi32> -> vector<1x16xi32>
    %swap3A_88 = arith.constant 0 : index
    %swap3A_89 = arith.constant 0 : index
    %swap3A_90 = vector.load %arg7[%swap3A_88, %swap3A_89] : memref<1x16xi32, #tpu.memory_space<vmem>>, vector<1x16xi32>
    tpu.vector_store %arg7[%swap3A_88, %swap3A_89], %concatenate3A {strides = array<i32>} : memref<1x16xi32, #tpu.memory_space<vmem>>, vector<1x16xi32>,
    return
  }
}

module attributes {stable_mosaic.version = 14 : i64} {
  func.func @_ffn_body(%arg0: i32, %arg1: memref<16xi32, #tpu.memory_space<smem>>, %arg2: memref<3808x768xf32, #tpu.memory_space<vmem>>, %arg3: memref<1x3072x768xf32, #tpu.memory_space<vmem>>, %arg4: memref<1x1x3072xf32, #tpu.memory_space<vmem>>, %arg5: memref<1x768x3072xf32, #tpu.memory_space<vmem>>, %arg6: memref<1x1x768xf32, #tpu.memory_space<vmem>>, %arg7: memref<3808x128xf32, #tpu.memory_space<vmem>>, %arg8: memref<3808x768xf32, #tpu.memory_space<vmem>>) attributes {dimension_semantics = [#tpu.dimension_semantics<arbitrary>], iteration_bounds = array<i64: 8>, scalar_prefetch = 1 : i64, scratch_operands = 0 : i64, tpu.core_type = #tpu.core_type<tc>, window_params = [{pipeline_mode = #tpu.pipeline_mode<synchronous>, transform_indices = @transform_0, window_bounds = array<i64: 3808, 768>}, {transform_indices = @transform_1, window_bounds = array<i64: 1, 3072, 768>}, {transform_indices = @transform_2, window_bounds = array<i64: 1, 1, 3072>}, {transform_indices = @transform_3, window_bounds = array<i64: 1, 768, 3072>}, {transform_indices = @transform_4, window_bounds = array<i64: 1, 1, 768>}, {pipeline_mode = #tpu.pipeline_mode<synchronous>, transform_indices = @transform_5, window_bounds = array<i64: 3808, 128>}, {pipeline_mode = #tpu.pipeline_mode<synchronous>, transform_indices = @transform_6, window_bounds = array<i64: 3808, 768>}]} {
    %get3A = arith.index_cast %arg0 : i32 to index
    %get3A_0 = memref.load %arg1[%get3A] : memref<16xi32, #tpu.memory_space<smem>>
    %add3A = arith.constant 8 : i32
    %add3A_1 = arith.addi %add3A, %arg0 : i32
    %get3A_2 = arith.index_cast %add3A_1 : i32 to index
    %get3A_3 = memref.load %arg1[%get3A_2] : memref<16xi32, #tpu.memory_space<smem>>
    %while3A = arith.constant 0 : i32
    %while3A_4 = arith.constant 0 : i32
    %while3A_5 = arith.subi %get3A_3, %while3A_4 : i32
    %while3A_6 = arith.addi %while3A_4, %while3A_5 : i32
    %while3A_7 = arith.constant 1 : i32
    %while3A_8 = arith.divsi %while3A_5, %while3A_7 : i32
    %while3A_9 = arith.muli %while3A_8, %while3A_7 : i32
    %while3A_10 = arith.addi %while3A_4, %while3A_9 : i32
    %while3A_11 = arith.constant 1 : i32
    scf.for %while3A_13 = %while3A_4 to %while3A_10 step %while3A_11  : i32 {
      %add3A_14 = arith.addi %get3A_0, %while3A_13 : i32
      %mul3A = arith.constant 272 : i32
      %mul3A_15 = arith.muli %add3A_14, %mul3A : i32
      %get3A_16 = arith.index_cast %mul3A_15 : i32 to index
      %get3A_17 = arith.constant 0 : index
      %get3A_18 = vector.load %arg2[%get3A_16, %get3A_17] : memref<3808x768xf32, #tpu.memory_space<vmem>>, vector<272x768xf32>
      %get3A_19 = arith.constant 0 : index
      %get3A_20 = arith.constant 0 : index
      %get3A_21 = arith.constant 0 : index
      %get3A_22 = vector.load %arg3[%get3A_19, %get3A_20, %get3A_21] : memref<1x3072x768xf32, #tpu.memory_space<vmem>>, vector<1x3072x768xf32>
      %get3A_23 = vector.shape_cast %get3A_22 : vector<1x3072x768xf32> to vector<3072x768xf32>
      %dot_general3A = arith.constant dense<0.000000e+00> : vector<272x3072xf32>
      %dot_general3A_24 = tpu.matmul %get3A_18, %get3A_23, %dot_general3A {dimension_numbers = #tpu.dot_dimension_numbers<[1], [1], [0], [0], [0, 0, 1, 0], [], []>, transpose_lhs_hint = false} : vector<272x768xf32>, vector<3072x768xf32>, vector<272x3072xf32> -> vector<272x3072xf32>
      %get3A_25 = arith.constant 0 : index
      %get3A_26 = arith.constant 0 : index
      %get3A_27 = arith.constant 0 : index
      %get3A_28 = vector.load %arg4[%get3A_25, %get3A_26, %get3A_27] : memref<1x1x3072xf32, #tpu.memory_space<vmem>>, vector<1x1x3072xf32>
      %get3A_29 = vector.shape_cast %get3A_28 : vector<1x1x3072xf32> to vector<1x3072xf32>
      %add3A_30 = vector.broadcast %get3A_29 : vector<1x3072xf32> to vector<272x3072xf32>
      %add3A_31 = arith.addf %dot_general3A_24, %add3A_30 : vector<272x3072xf32>
      %mul3A_32 = arith.constant 5.000000e-01 : f32
      %mul3A_33 = vector.broadcast %mul3A_32 : f32 to vector<272x3072xf32>
      %mul3A_34 = arith.mulf %mul3A_33, %add3A_31 : vector<272x3072xf32>
      %mul3A_35 = arith.constant 0.707106769 : f32
      %mul3A_36 = vector.broadcast %mul3A_35 : f32 to vector<272x3072xf32>
      %mul3A_37 = arith.mulf %add3A_31, %mul3A_36 : vector<272x3072xf32>
      %erf3A = math.erf %mul3A_37 : vector<272x3072xf32>
      %add3A_38 = arith.constant 1.000000e+00 : f32
      %add3A_39 = vector.broadcast %add3A_38 : f32 to vector<272x3072xf32>
      %add3A_40 = arith.addf %add3A_39, %erf3A : vector<272x3072xf32>
      %mul3A_41 = arith.mulf %mul3A_34, %add3A_40 : vector<272x3072xf32>
      %get3A_42 = arith.constant 0 : index
      %get3A_43 = arith.constant 0 : index
      %get3A_44 = arith.constant 0 : index
      %get3A_45 = vector.load %arg5[%get3A_42, %get3A_43, %get3A_44] : memref<1x768x3072xf32, #tpu.memory_space<vmem>>, vector<1x768x3072xf32>
      %get3A_46 = vector.shape_cast %get3A_45 : vector<1x768x3072xf32> to vector<768x3072xf32>
      %dot_general3A_47 = arith.constant dense<0.000000e+00> : vector<272x768xf32>
      %dot_general3A_48 = tpu.matmul %mul3A_41, %get3A_46, %dot_general3A_47 {dimension_numbers = #tpu.dot_dimension_numbers<[1], [1], [0], [0], [0, 0, 1, 0], [], []>, transpose_lhs_hint = false} : vector<272x3072xf32>, vector<768x3072xf32>, vector<272x768xf32> -> vector<272x768xf32>
      %get3A_49 = arith.constant 0 : index
      %get3A_50 = arith.constant 0 : index
      %get3A_51 = arith.constant 0 : index
      %get3A_52 = vector.load %arg6[%get3A_49, %get3A_50, %get3A_51] : memref<1x1x768xf32, #tpu.memory_space<vmem>>, vector<1x1x768xf32>
      %get3A_53 = vector.shape_cast %get3A_52 : vector<1x1x768xf32> to vector<1x768xf32>
      %add3A_54 = vector.broadcast %get3A_53 : vector<1x768xf32> to vector<272x768xf32>
      %add3A_55 = arith.addf %dot_general3A_48, %add3A_54 : vector<272x768xf32>
      %get3A_56 = arith.index_cast %mul3A_15 : i32 to index
      %get3A_57 = arith.constant 0 : index
      %get3A_58 = vector.load %arg7[%get3A_56, %get3A_57] : memref<3808x128xf32, #tpu.memory_space<vmem>>, vector<272x128xf32>
      %reduce_max3A = arith.constant dense<0xFF800000> : vector<272xf32>
      %reduce_max3A_59 = vector.multi_reduction <maximumf>, %get3A_58, %reduce_max3A [1] : vector<272x128xf32> to vector<272xf32>
      %broadcast_in_dim3A = vector.shape_cast %reduce_max3A_59 : vector<272xf32> to vector<272x1xf32>
      %mul3A_60 = vector.broadcast %broadcast_in_dim3A : vector<272x1xf32> to vector<272x768xf32>
      %mul3A_61 = arith.mulf %add3A_55, %mul3A_60 : vector<272x768xf32>
      %swap3A = arith.index_cast %mul3A_15 : i32 to index
      %swap3A_62 = arith.constant 0 : index
      %swap3A_63 = vector.load %arg8[%swap3A, %swap3A_62] : memref<3808x768xf32, #tpu.memory_space<vmem>>, vector<272x768xf32>
      tpu.vector_store %arg8[%swap3A, %swap3A_62], %mul3A_61 {strides = array<i32>} : memref<3808x768xf32, #tpu.memory_space<vmem>>, vector<272x768xf32>,
    }
    %while3A_12 = arith.constant 1 : i32
    scf.for %while3A_13 = %while3A_10 to %while3A_6 step %while3A_12  : i32 {
      %add3A_14 = arith.addi %get3A_0, %while3A_13 : i32
      %mul3A = arith.constant 272 : i32
      %mul3A_15 = arith.muli %add3A_14, %mul3A : i32
      %get3A_16 = arith.index_cast %mul3A_15 : i32 to index
      %get3A_17 = arith.constant 0 : index
      %get3A_18 = vector.load %arg2[%get3A_16, %get3A_17] : memref<3808x768xf32, #tpu.memory_space<vmem>>, vector<272x768xf32>
      %get3A_19 = arith.constant 0 : index
      %get3A_20 = arith.constant 0 : index
      %get3A_21 = arith.constant 0 : index
      %get3A_22 = vector.load %arg3[%get3A_19, %get3A_20, %get3A_21] : memref<1x3072x768xf32, #tpu.memory_space<vmem>>, vector<1x3072x768xf32>
      %get3A_23 = vector.shape_cast %get3A_22 : vector<1x3072x768xf32> to vector<3072x768xf32>
      %dot_general3A = arith.constant dense<0.000000e+00> : vector<272x3072xf32>
      %dot_general3A_24 = tpu.matmul %get3A_18, %get3A_23, %dot_general3A {dimension_numbers = #tpu.dot_dimension_numbers<[1], [1], [0], [0], [0, 0, 1, 0], [], []>, transpose_lhs_hint = false} : vector<272x768xf32>, vector<3072x768xf32>, vector<272x3072xf32> -> vector<272x3072xf32>
      %get3A_25 = arith.constant 0 : index
      %get3A_26 = arith.constant 0 : index
      %get3A_27 = arith.constant 0 : index
      %get3A_28 = vector.load %arg4[%get3A_25, %get3A_26, %get3A_27] : memref<1x1x3072xf32, #tpu.memory_space<vmem>>, vector<1x1x3072xf32>
      %get3A_29 = vector.shape_cast %get3A_28 : vector<1x1x3072xf32> to vector<1x3072xf32>
      %add3A_30 = vector.broadcast %get3A_29 : vector<1x3072xf32> to vector<272x3072xf32>
      %add3A_31 = arith.addf %dot_general3A_24, %add3A_30 : vector<272x3072xf32>
      %mul3A_32 = arith.constant 5.000000e-01 : f32
      %mul3A_33 = vector.broadcast %mul3A_32 : f32 to vector<272x3072xf32>
      %mul3A_34 = arith.mulf %mul3A_33, %add3A_31 : vector<272x3072xf32>
      %mul3A_35 = arith.constant 0.707106769 : f32
      %mul3A_36 = vector.broadcast %mul3A_35 : f32 to vector<272x3072xf32>
      %mul3A_37 = arith.mulf %add3A_31, %mul3A_36 : vector<272x3072xf32>
      %erf3A = math.erf %mul3A_37 : vector<272x3072xf32>
      %add3A_38 = arith.constant 1.000000e+00 : f32
      %add3A_39 = vector.broadcast %add3A_38 : f32 to vector<272x3072xf32>
      %add3A_40 = arith.addf %add3A_39, %erf3A : vector<272x3072xf32>
      %mul3A_41 = arith.mulf %mul3A_34, %add3A_40 : vector<272x3072xf32>
      %get3A_42 = arith.constant 0 : index
      %get3A_43 = arith.constant 0 : index
      %get3A_44 = arith.constant 0 : index
      %get3A_45 = vector.load %arg5[%get3A_42, %get3A_43, %get3A_44] : memref<1x768x3072xf32, #tpu.memory_space<vmem>>, vector<1x768x3072xf32>
      %get3A_46 = vector.shape_cast %get3A_45 : vector<1x768x3072xf32> to vector<768x3072xf32>
      %dot_general3A_47 = arith.constant dense<0.000000e+00> : vector<272x768xf32>
      %dot_general3A_48 = tpu.matmul %mul3A_41, %get3A_46, %dot_general3A_47 {dimension_numbers = #tpu.dot_dimension_numbers<[1], [1], [0], [0], [0, 0, 1, 0], [], []>, transpose_lhs_hint = false} : vector<272x3072xf32>, vector<768x3072xf32>, vector<272x768xf32> -> vector<272x768xf32>
      %get3A_49 = arith.constant 0 : index
      %get3A_50 = arith.constant 0 : index
      %get3A_51 = arith.constant 0 : index
      %get3A_52 = vector.load %arg6[%get3A_49, %get3A_50, %get3A_51] : memref<1x1x768xf32, #tpu.memory_space<vmem>>, vector<1x1x768xf32>
      %get3A_53 = vector.shape_cast %get3A_52 : vector<1x1x768xf32> to vector<1x768xf32>
      %add3A_54 = vector.broadcast %get3A_53 : vector<1x768xf32> to vector<272x768xf32>
      %add3A_55 = arith.addf %dot_general3A_48, %add3A_54 : vector<272x768xf32>
      %get3A_56 = arith.index_cast %mul3A_15 : i32 to index
      %get3A_57 = arith.constant 0 : index
      %get3A_58 = vector.load %arg7[%get3A_56, %get3A_57] : memref<3808x128xf32, #tpu.memory_space<vmem>>, vector<272x128xf32>
      %reduce_max3A = arith.constant dense<0xFF800000> : vector<272xf32>
      %reduce_max3A_59 = vector.multi_reduction <maximumf>, %get3A_58, %reduce_max3A [1] : vector<272x128xf32> to vector<272xf32>
      %broadcast_in_dim3A = vector.shape_cast %reduce_max3A_59 : vector<272xf32> to vector<272x1xf32>
      %mul3A_60 = vector.broadcast %broadcast_in_dim3A : vector<272x1xf32> to vector<272x768xf32>
      %mul3A_61 = arith.mulf %add3A_55, %mul3A_60 : vector<272x768xf32>
      %swap3A = arith.index_cast %mul3A_15 : i32 to index
      %swap3A_62 = arith.constant 0 : index
      %swap3A_63 = vector.load %arg8[%swap3A, %swap3A_62] : memref<3808x768xf32, #tpu.memory_space<vmem>>, vector<272x768xf32>
      tpu.vector_store %arg8[%swap3A, %swap3A_62], %mul3A_61 {strides = array<i32>} : memref<3808x768xf32, #tpu.memory_space<vmem>>, vector<272x768xf32>,
    }
    return
  }
  func.func @transform_0(%arg0: i32, %arg1: memref<16xi32, #tpu.memory_space<smem>>) -> (i32, i32) {
    %c0_i32 = arith.constant 0 : i32
    %c0_i32_0 = arith.constant 0 : i32
    %c0_i32_1 = arith.constant 0 : i32
    return %c0_i32, %c0_i32_0 : i32, i32
  }
  func.func @transform_1(%arg0: i32, %arg1: memref<16xi32, #tpu.memory_space<smem>>) -> (i32, i32, i32) {
    %c0_i32 = arith.constant 0 : i32
    %c0_i32_0 = arith.constant 0 : i32
    %c0_i32_1 = arith.constant 0 : i32
    return %arg0, %c0_i32, %c0_i32_0 : i32, i32, i32
  }
  func.func @transform_2(%arg0: i32, %arg1: memref<16xi32, #tpu.memory_space<smem>>) -> (i32, i32, i32) {
    %c0_i32 = arith.constant 0 : i32
    %c0_i32_0 = arith.constant 0 : i32
    %c0_i32_1 = arith.constant 0 : i32
    return %arg0, %c0_i32, %c0_i32_0 : i32, i32, i32
  }
  func.func @transform_3(%arg0: i32, %arg1: memref<16xi32, #tpu.memory_space<smem>>) -> (i32, i32, i32) {
    %c0_i32 = arith.constant 0 : i32
    %c0_i32_0 = arith.constant 0 : i32
    %c0_i32_1 = arith.constant 0 : i32
    return %arg0, %c0_i32, %c0_i32_0 : i32, i32, i32
  }
  func.func @transform_4(%arg0: i32, %arg1: memref<16xi32, #tpu.memory_space<smem>>) -> (i32, i32, i32) {
    %c0_i32 = arith.constant 0 : i32
    %c0_i32_0 = arith.constant 0 : i32
    %c0_i32_1 = arith.constant 0 : i32
    return %arg0, %c0_i32, %c0_i32_0 : i32, i32, i32
  }
  func.func @transform_5(%arg0: i32, %arg1: memref<16xi32, #tpu.memory_space<smem>>) -> (i32, i32) {
    %c0_i32 = arith.constant 0 : i32
    %c0_i32_0 = arith.constant 0 : i32
    %c0_i32_1 = arith.constant 0 : i32
    return %c0_i32, %c0_i32_0 : i32, i32
  }
  func.func @transform_6(%arg0: i32, %arg1: memref<16xi32, #tpu.memory_space<smem>>) -> (i32, i32) {
    %c0_i32 = arith.constant 0 : i32
    %c0_i32_0 = arith.constant 0 : i32
    %c0_i32_1 = arith.constant 0 : i32
    return %c0_i32, %c0_i32_0 : i32, i32
  }
}

</mosaic_0001>

<sc_bundles>
// kernel: kernel.6.cloned.1.call-start
scs
__scs_entry_jumppad:
0x0: {  	(pc) =	sbr.rel $0x88, $3  }
0x1: {  	(tag) =	ssettag $0x0;
	lr =	simm.s32 $0x1  }
0x2: {  	[smem:$0x3F98] =	sst lr;
	_ =	strace $0xD0000000  }
0x3: {  	_ = 	snop  }
0x4: {  	_ = 	snop  }
0x5: {  	_ = 	snop  }
0x6: {  	_ = 	snop  }
0x7: {  	_ = 	snop  }
__scs_overlays_trampoline_lowered:
0x8: {  	[smem:$0x3FA7] =	sst s0  }
0x9: {  	[smem:$0x3FA8] =	sst s1  }
0xa: {  	[smem:$0x3FA9] =	sst s2  }
0xb: {  	[smem:$0x3FAA] =	sst s3  }
0xc: {  	[smem:$0x3FAB] =	sst s4  }
0xd: {  	[smem:$0x3FAC] =	sst s5  }
0xe: {  	[smem:$0x3FAD] =	sst s6  }
0xf: {  	[smem:$0x3FAE] =	sst s7  }
0x10: {  	[smem:$0x3FAF] =	sst s8  }
0x11: {  	[smem:$0x3FB0] =	sst s9;
	s0 =	simm.s32 @!p0 $0x0  }
0x12: {  	s1 =	sld [smem:$0x3F96];
	s0 =	simm.s32 @p0 $0x1  }
0x13: {  	[smem:$0x3FB1] =	sst s0;
	s0 =	simm.s32 @!p1 $0x0  }
0x14: {  	s2 =	sld [smem:$0x3F95];
	s0 =	simm.s32 @p1 $0x1  }
0x15: {  	[smem:$0x3FB2] =	sst s0;
	s0 =	simm.s32 @!p2 $0x0  }
0x16: {  	s3 =	sld [smem:$0x3FDB];
	s0 =	simm.s32 @p2 $0x1  }
0x17: {  	s4 =	simm.s32 $0x1BF5;
	[smem:$0x3FB4] =	sst s0  }
0x18: {  	s0 =	sld [smem:$0x3F97];
	_ =	swait.ge [sflag:s4], $0x0  }
0x19: {  	s7 =	sld [smem:$0x3F98]  }
0x1a: {  	s8 =	sadd.s32 $0xFFFFE003, lr  }
0x1b: {  	s9 =	sadd.s32 $0xFFFFFEF7, lr;
	s5 =	simm.s32 $0xFFFFFFFF;
	p2 =	slt.u32 s8, $0xFFFFF086  }
0x1c: {  	p1 =	slt.u32 s9, $0xF7A;
	s5 =	simm.s32 @!p2 $0x0  }
0x1d: {  	s5 =	simm.s32 @p1 $0x1;
	p0 =	seq.s32 s7, s2  }
0x1e: {  	s7 =	smul.u32 @!p0 $0xF7A, s2;
	p2 =	seq.s32 @!p0 s5, $0x0  }
0x1f: {  	s9 =	smul.u32 $0xF7A, s1;
	s8 =	simm.s32 @!p0 $0x1BF5;
	p2 =	por !p2, p0  }
0x20: {  	[sflag:s8] =	ssyncset.s32 @!p0 $0xFFFFF086;
	s6 =	sadd.s32 @!p0 s3, s7;
	s7 =	simm.s32 @!p0 $0x108  }
0x21: {  	s3 =	sadd.s32 s3, s9;
	s6 =	sadd.s32 @!p0 $0x88, s6;
	s7 =	simm.s32 @p2 $0x1082  }
0x22: {  	[simem:s7], [sflag:s8] =	dma.local @!p0 [hbm:s6], $0xF7A  }
0x23: {  	s9 =	sor.u32 $0xD0000000, s2;
	s6 =	simm.s32 $0x108;
	_ =	swait.ge @!p0 [sflag:s8], $0x0  }
0x24: {  	s3 =	sadd.s32 $0x88, s3;
	s6 =	simm.s32 @!p1 $0x1082;
	[sflag:s4] =	ssyncset.s32 $0xFFFFF086  }
0x25: {  	[simem:s6], [sflag:s4] =	dma.local [hbm:s3], $0xF7A  }
0x26: {  	[smem:$0x3F98] =	sst s1;
	(tag) =	ssettag s2;
	_ =	strace s9  }
0x27: {  	s1 =	sld [smem:$0x3FA8]  }
0x28: {  	s2 =	sld [smem:$0x3FA9]  }
0x29: {  	s4 =	sld [smem:$0x3FAB]  }
0x2a: {  	p0 =	seq.s32 s5, $0x0;
	s5 =	sld [smem:$0x3FAC]  }
0x2b: {  	s6 =	sld [smem:$0x3FAD]  }
0x2c: {  	s7 =	sld [smem:$0x3FAE]  }
0x2d: {  	s3 =	simm.s32 $0x108;
	s8 =	sld [smem:$0x3FAF]  }
0x2e: {  	s3 =	simm.s32 @!p0 $0x1082;
	s9 =	sld [smem:$0x3FB0]  }
0x2f: {  	lr =	sadd.s32 s0, s3;
	s0 =	sld [smem:$0x3FA7]  }
0x30: {  	s3 =	sld [smem:$0x3FAA]  }
0x31: {  	[smem:$0x3FB3] =	sst s10  }
0x32: {  	s10 =	sld [smem:$0x3FB1];
	_ =	sdelay $0x3  }
0x33: {  	p0 =	seq.s32 s10, $0x1;
	s10 =	sld [smem:$0x3FB3];
	_ =	sdelay $0x3  }
0x34: {  	[smem:$0x3FB3] =	sst s10  }
0x35: {  	s10 =	sld [smem:$0x3FB2];
	_ =	sdelay $0x3  }
0x36: {  	p1 =	seq.s32 s10, $0x1;
	s10 =	sld [smem:$0x3FB3];
	_ =	sdelay $0x3  }
0x37: {  	[smem:$0x3FB3] =	sst s10  }
0x38: {  	s10 =	sld [smem:$0x3FB4]  }
0x39: {  	_ = 	snop;
	(pc) =	sbr.ind lr, $3  }
0x3a: {  	_ = 	snop  }
0x3b: {  	_ = 	snop  }
0x3c: {  	p2 =	seq.s32 s10, $0x1;
	s10 =	sld [smem:$0x3FB3]  }
0x3d: {  	_ =	shalt  }
0x3e: {  	_ =	shalt  }
0x3f: {  	_ =	shalt  }
0x40: {  	_ =	shalt  }
0x41: {  	_ =	shalt  }
0x42: {  	_ =	shalt  }
0x43: {  	_ =	shalt  }
0x44: {  	_ =	shalt  }
0x45: {  	_ =	shalt  }
0x46: {  	_ =	shalt  }
0x47: {  	_ =	shalt  }
0x48: {  	_ =	shalt  }
0x49: {  	_ =	shalt  }
0x4a: {  	_ =	shalt  }
0x4b: {  	_ =	shalt  }
0x4c: {  	_ =	shalt  }
0x4d: {  	_ =	shalt  }
0x4e: {  	_ =	shalt  }
0x4f: {  	_ =	shalt  }
0x50: {  	_ =	shalt  }
0x51: {  	_ =	shalt  }
0x52: {  	_ =	shalt  }
0x53: {  	_ =	shalt  }
0x54: {  	_ =	shalt  }
0x55: {  	_ =	shalt  }
0x56: {  	_ =	shalt  }
0x57: {  	_ =	shalt  }
0x58: {  	_ =	shalt  }
0x59: {  	_ =	shalt  }
0x5a: {  	_ =	shalt  }
0x5b: {  	_ =	shalt  }
0x5c: {  	_ =	shalt  }
0x5d: {  	_ =	shalt  }
0x5e: {  	_ =	shalt  }
0x5f: {  	_ =	shalt  }
0x60: {  	_ =	shalt  }
0x61: {  	_ =	shalt  }
0x62: {  	_ =	shalt  }
0x63: {  	_ =	shalt  }
0x64: {  	_ =	shalt  }
0x65: {  	_ =	shalt  }
0x66: {  	_ =	shalt  }
0x67: {  	_ =	shalt  }
0x68: {  	_ =	shalt  }
0x69: {  	_ =	shalt  }
0x6a: {  	_ =	shalt  }
0x6b: {  	_ =	shalt  }
0x6c: {  	_ =	shalt  }
0x6d: {  	_ =	shalt  }
0x6e: {  	_ =	shalt  }
0x6f: {  	_ =	shalt  }
0x70: {  	_ =	shalt  }
0x71: {  	_ =	shalt  }
0x72: {  	_ =	shalt  }
0x73: {  	_ =	shalt  }
0x74: {  	_ =	shalt  }
0x75: {  	_ =	shalt  }
0x76: {  	_ =	shalt  }
0x77: {  	_ =	shalt  }
0x78: {  	_ =	shalt  }
0x79: {  	_ =	shalt  }
0x7a: {  	_ =	shalt  }
0x7b: {  	_ =	shalt  }
0x7c: {  	_ =	shalt  }
0x7d: {  	_ =	shalt  }
0x7e: {  	_ =	shalt  }
0x7f: {  	_ =	shalt  }
0x80: {  	_ =	shalt  }
0x81: {  	_ =	shalt  }
0x82: {  	_ =	shalt  }
0x83: {  	_ =	shalt  }
0x84: {  	_ =	shalt  }
0x85: {  	_ =	shalt  }
0x86: {  	_ =	shalt  }
0x87: {  	_ =	shalt  }
.Lfunc_end0:
.L_simem_size_0:
called_computation_lowered:
.L_overlay_start_0:
0x88: {  	s2 =	sld [smem:$0x3FD9]  }
0x89: {  	s3 =	sld [smem:$0x3FFE];
	_ =	sdelay $0x1  }
0x8a: {  	s1 =	srdreg.scid  }
0x8b: {  	s0 =	sand.u32 $0x1, s1  }
0x8c: {  	s17 =	sshll.u32 s0, $0xA;
	s2 =	sadd.s32 s3, s2  }
0x8d: {  	s2 =	sadd.s32 s2, s17  }
0x8e: {  	[smem:$0x3FBF] =	sst s2  }
0x8f: {  	_ = 	snop  }
0x90: {  	s2 =	sld [smem:$0x3FC9]  }
0x91: {  	s18 =	sld [smem:$0x3FD0];
	(tm) =	ssettm $0x1  }
0x92: {  	s4 =	sld [smem:$0x3FFB];
	_ =	sdelay $0x3  }
0x93: {  	_ =	strace s4  }
0x94: {  	s4 =	sld [smem:$0x3FFC];
	_ =	sdelay $0x3  }
0x95: {  	_ =	strace s4  }
0x96: {  	s4 =	sld [smem:$0x3FFD];
	_ =	sdelay $0x3  }
0x97: {  	_ =	strace s4  }
0x98: {  	_ =	strace $0x8FFFFFFF  }
0x99: {  	s19 =	sld [smem:$0x3FDB];
	_ =	sdelay $0x1  }
0x9a: {  	s5 =	simm.s32 $_scs_section_size  }
0x9b: {  	s6 =	simm.s32 $_size__tile_overlayer_lowered;
	s7 =	simm.s32 $_tile_overlayer_lowered  }
0x9c: {  	s22 =	simm.s32 $0x1BFF;
	s21 =	sshll.u32 s7, $0x1;
	s4 =	sadd.s32 s5, s19  }
0x9d: {  	s8 =	simm.s32 $0x0;
	s20 =	sshll.u32 s6, $0x1;
	s6 =	sadd.s32 s21, s4  }
0x9e: {  	[timem:s8], [sflag:s22] =	dma.local [hbm:s6], s20  }
0x9f: {  	_ =	swait.ge [sflag:s22], s20  }
0xa0: {  	s5 =	ssub.s32 $0x0, s20;
	[sflag:s22] =	ssyncset.done $0x0  }
0xa1: {  	[sflag:s22] =	ssyncadd.s32 s5;
	_ =	sdelay $0x1  }
0xa2: {  	s23 =	simm.s32 $0x1B8B  }
0xa3: {  	_ =	swait.ge [sflag:s23], $0x1  }
0xa4: {  	[sflag:s23] =	ssyncset.done $0x0  }
0xa5: {  	s25 =	simm.s32 $0x1B8E;
	s24 =	sld [smem:$0x3FFE];
	[sflag:s23] =	ssyncadd.s32 $0xFFFFFFFF  }
0xa6: {  	s26 =	simm.s32 $execute0_lowered;
	[smem:$0x3FD2] =	sst s25  }
0xa7: {  	s6 =	sshll.u32 s26, $0x1;
	_ =	strace $0x80000046;
	[dreg:$0x1] =	wrdreg $0xFFFFFFFF  }
0xa8: {  	s28 =	simm.s32 $_size_execute0_lowered;
	s4 =	sadd.s32 s4, s6;
	[dreg:$0x0] =	wrdreg $0x0  }
0xa9: {  	s6 =	sshll.u32 s28, $0x1;
	[dreg:$0x2] =	wrdreg s4  }
0xaa: {  	[dreg:$0x3] =	wrdreg s6  }
0xab: {  	[dreg:$0x4] =	wrdreg $0xC0  }
0xac: {  	_ =	task [dreg:s8], $0x5FFFF  }
0xad: {  	[dreg:$0x1] =	wrdreg $0xFFFFFFFF  }
0xae: {  	[dreg:$0x0] =	wrdreg $0x60  }
0xaf: {  	[dreg:$0x2] =	wrdreg s2  }
0xb0: {  	[dreg:$0x3] =	wrdreg s24  }
0xb1: {  	[dreg:$0x4] =	wrdreg s18  }
0xb2: {  	[dreg:$0x5] =	wrdreg $0x9  }
0xb3: {  	_ =	task.clear_ibuf [dreg:s8], $0x6FFFF;
	_ =	strace $0x90000046  }
0xb4: {  	s29 =	simm.s32 $0x9;
	_ =	strace $0x80000048  }
0xb5: {  	_ =	swait.ge [sflag:s29], $0x1  }
0xb6: {  	[sflag:s29] =	ssyncadd.s32 $0xFFFFFFFF  }
0xb7: {  	_ =	strace $0x90000048  }
0xb8: {  	_ =	sfence  }
0xb9: {  	s30 =	sld [smem:$0x0];
	_ =	sdelay $0x2  }
0xba: {  	s31 =	sshll.u32 s1, $0xD;
	s1 =	sshrl.u32 s1, $0x2  }
0xbb: {  	s3 =	sand.u32 $0x4000, s31;
	s1 =	sadd.s32 s1, s30  }
0xbc: {  	s0 =	sor.u32 s3, s0;
	s1 =	sshll.u32 s1, $0x11  }
0xbd: {  	s0 =	sor.u32 s1, s0  }
0xbe: {  	s0 =	sadd.s32 $0x8F2B, s0  }
0xbf: {  	[sflag:s0] =	ssyncadd.remote.s32 $0x1  }
0xc0: {  	_ =	sfence.sel $0xFFFF  }
0xc1: {  	[dreg:$0x0] =	wrdreg $0xFFFFFFFF;
	(pc) =	sbr.abs _section_cstart, $3  }
0xc2: {  	[dreg:$0x1] =	wrdreg $0xFFFFFFFF  }
0xc3: {  	_ =	task.clear_ibuf [dreg:s8], $0x2FFFF;
	_ =	strace $0x9FFFFFFF  }
0xc4: {  	(tm) =	ssettm $0x7FFFFFFF  }
0xc5: {  	_ =	shalt  }
tec
execute0_lowered:
.L_overlay_start_1:
0x0: {  	(tag) =	ssettag $0x1  }
0x1: {  	s0 =	rddreg [dreg:$0x0]  }
0x2: {  	s5 =	rddreg [dreg:$0x1]  }
0x3: {  	s1 =	rddreg [dreg:$0x2];
	s2 =	srdreg.scid  }
0x4: {  	s21 =	stileid.u32;
	s24 =	simm.s32 $0x880;
	s25 =	simm.s32 $0x1080  }
0x5: {  	s26 =	simm.s32 $0x1880;
	s9 =	simm.s32 $0x1;
	s11 =	simm.s32 $0x2880  }
0x6: {  	s12 =	simm.s32 $0x3080;
	s13 =	simm.s32 $0x3880;
	s14 =	simm.s32 $0x4080  }
0x7: {  	s15 =	simm.s32 $0x4880;
	s16 =	simm.s32 $0x5080;
	s17 =	simm.s32 $0x5880  }
0x8: {  	s18 =	simm.s32 $0x6080;
	s19 =	simm.s32 $0x6880;
	s20 =	simm.s32 $0x7080  }
0x9: {  	s28 =	simm.s32 $0xA880;
	s29 =	simm.s32 $0xB080;
	s30 =	simm.s32 $0xB880  }
0xa: {  	[dreg:$0x4] =	wrdreg s1;
	s4 =	sand.u32 $0x1, s2;
	s2 =	simm.s32 $0x0  }
0xb: {  	s31 =	simm.s32 $0x40;
	s3 =	sshll.u32 s21, $0x7;
	[smem:$0x7FF] =	sst s2  }
0xc: {  	s21 =	simm.s32 $0x7880;
	_ =	strace $0x80000047;
	[dreg:$0x8] =	wrdreg s24  }
0xd: {  	s6 =	sshll.u32 s4, $0x6;
	s4 =	ssub.s32 $0x2, s4;
	[dreg:$0x9] =	wrdreg s25  }
0xe: {  	s3 =	sor.u32 s6, s3;
	s22 =	sshrl.u32 s4, $0x1;
	[dreg:$0xa] =	wrdreg s26  }
0xf: {  	s24 =	simm.s32 $0x9080;
	s25 =	simm.s32 $0x9880;
	s6 =	sshrl.u32 s3, $0x3  }
0x10: {  	s26 =	simm.s32 $0xA080;
	s3 =	sshll.u32 s3, $0x4;
	s7 =	sadd.s32 s6, s5  }
0x11: {  	s6 =	smul.u32 $0x300, s6;
	s8 =	sadd.s32 s3, s5;
	s3 =	sadd.s32 $0xA000, s5  }
0x12: {  	s7 =	sadd.s32 $0x9E00, s7;
	s23 =	sadd.s32 $0x1C00, s8;
	s8 =	simm.s32 $0xC080  }
0x13: {  	[dreg:$0x5] =	wrdreg s7;
	s0 =	sadd.s32 s0, s6;
	s6 =	ssub.s32 s4, s22  }
0x14: {  	v2 =	vlaneseq.u32;
	[dreg:$0x7] =	wrdreg s23;
	s4 =	sadd.s32 $0xA100, s5;
	s5 =	sadd.s32 $0xA200, s5  }
0x15: {  	vm0 =	vmmov $0xffff;
	v1 =	vshrl.u32 v2, $0x3;
	s7 =	simm.s32 $0x80;
	s22 =	simm.s32 $0x8080;
	s23 =	simm.s32 $0x8880  }
0x16: {  	v0 =	vand.u32 $0x7, v2;
	v2 =	vor.u32 $0x8, v2;
	v1 =	vmul.u32 $0x8, v1;
	[dreg:$0x6] =	wrdreg s0;
	s6 =	smax.u32 s6, $0x1;
	s0 =	simm.s32 $0x2  }
.LBB2_1:
0x17: {  	s1 =	rddreg [dreg:$0x5]  }
0x18: {  	[tilespmem:s2], [sflag:$0x1] =	stream.linear.gather [hbm4b:s1+s2], $0x40, $0x38;
	[tilespmem:$0xE080] =	vst v63  }
0x19: {  	s10 =	rddreg [dreg:$0x6]  }
0x1a: {  	[tilespmem:s7], [sflag:$0x1] =	stream.linear.gather [hbm4b:s10+s2], $0xC000, $0x38;
	[tilespmem:$0xE080] =	vst v63  }
0x1b: {  	s1 =	rddreg [dreg:$0x7]  }
0x1c: {  	[tilespmem:s8], [sflag:$0x1] =	stream.linear.gather [hbm4b:s1+s2], $0x2000, $0x38;
	[tilespmem:$0xE080] =	vst v63  }
0x1d: {  	_ =	swait.ge [sflag:s9], $0x40  }
0x1e: {  	[sflag:s9] =	ssyncset.done $0x0  }
0x1f: {  	[sflag:s9] =	ssyncadd.s32 $0xFFFFFFC0  }
0x20: {  	_ =	swait.ge [sflag:s9], $0xC000  }
0x21: {  	[sflag:s9] =	ssyncset.done $0x0  }
0x22: {  	[sflag:s9] =	ssyncadd.s32 $0xFFFF4000  }
0x23: {  	_ =	swait.ge [sflag:s9], $0x2000  }
0x24: {  	[sflag:s9] =	ssyncset.done $0x0  }
0x25: {  	[sflag:s9] =	ssyncadd.s32 $0xFFFFE000  }
0x26: {  	v3 =	vld [tilespmem:$0x0];
	_ =	sdelay $0x4  }
0x27: {  	v4 =	vshrl.u32 v3, $0x3  }
0x28: {  	v4 =	vmul.u32 $0x30, v4  }
0x29: {  	v3 =	vand.u32 $0x7, v3  }
0x2a: {  	v3 =	vor.u32 v3, v4  }
0x2b: {  	v4 =	vperm.xlane v3, v0;
	_ =	sdelay $0x1  }
0x2c: {  	v4 =	vadd.s32 v1, v4;
	_ =	sdelay $0x3  }
0x2d: {  	v3 =	vperm.xlane v3, v2  }
0x2e: {  	[hbm4b:s3+s2] =	stream.indirect_vreg.scatter [tilespmem:s7], [sflag:$0x2], $0x80, v4, vm0, $0xb8;
	[tilespmem:$0xE080] =	vst v63  }
0x2f: {  	s1 =	rddreg [dreg:$0x8];
	v3 =	vadd.s32 v1, v3  }
0x30: {  	[hbm4b:s4+s2] =	stream.indirect_vreg.scatter [tilespmem:s1], [sflag:$0x2], $0x80, v4, vm0, $0xb8;
	[tilespmem:$0xE080] =	vst v63  }
0x31: {  	s10 =	rddreg [dreg:$0x9]  }
0x32: {  	[hbm4b:s5+s2] =	stream.indirect_vreg.scatter [tilespmem:s10], [sflag:$0x2], $0x80, v4, vm0, $0xb8;
	[tilespmem:$0xE080] =	vst v63  }
0x33: {  	s1 =	rddreg [dreg:$0xa]  }
0x34: {  	[hbm4b:s3+s2] =	stream.indirect_vreg.scatter [tilespmem:s1], [sflag:$0x2], $0x80, v3, vm0, $0xb8;
	[tilespmem:$0xE080] =	vst v63  }
0x35: {  	s10 =	simm.s32 $0x2080  }
0x36: {  	[hbm4b:s4+s2] =	stream.indirect_vreg.scatter [tilespmem:s10], [sflag:$0x2], $0x80, v3, vm0, $0xb8;
	[tilespmem:$0xE080] =	vst v63  }
0x37: {  	_ = 	snop  }
0x38: {  	[hbm4b:s5+s2] =	stream.indirect_vreg.scatter [tilespmem:s11], [sflag:$0x2], $0x80, v3, vm0, $0xb8;
	[tilespmem:$0xE080] =	vst v63  }
0x39: {  	v3 =	vld [tilespmem:$0x10];
	_ =	sdelay $0x4  }
0x3a: {  	v61 =	vshrl.u32 v3, $0x3  }
0x3b: {  	v4 =	vmul.u32 $0x30, v61  }
0x3c: {  	v3 =	vand.u32 $0x7, v3  }
0x3d: {  	v3 =	vor.u32 v3, v4  }
0x3e: {  	v4 =	vperm.xlane v3, v0;
	_ =	sdelay $0x1  }
0x3f: {  	v4 =	vadd.s32 v1, v4;
	_ =	sdelay $0x3  }
0x40: {  	v3 =	vperm.xlane v3, v2  }
0x41: {  	[hbm4b:s3+s2] =	stream.indirect_vreg.scatter [tilespmem:s12], [sflag:$0x2], $0x80, v4, vm0, $0xb8;
	[tilespmem:$0xE080] =	vst v63  }
0x42: {  	v3 =	vadd.s32 v1, v3  }
0x43: {  	[hbm4b:s4+s2] =	stream.indirect_vreg.scatter [tilespmem:s13], [sflag:$0x2], $0x80, v4, vm0, $0xb8;
	[tilespmem:$0xE080] =	vst v63  }
0x44: {  	_ = 	snop  }
0x45: {  	[hbm4b:s5+s2] =	stream.indirect_vreg.scatter [tilespmem:s14], [sflag:$0x2], $0x80, v4, vm0, $0xb8;
	[tilespmem:$0xE080] =	vst v63  }
0x46: {  	_ = 	snop  }
0x47: {  	[hbm4b:s3+s2] =	stream.indirect_vreg.scatter [tilespmem:s15], [sflag:$0x2], $0x80, v3, vm0, $0xb8;
	[tilespmem:$0xE080] =	vst v63  }
0x48: {  	_ = 	snop  }
0x49: {  	[hbm4b:s4+s2] =	stream.indirect_vreg.scatter [tilespmem:s16], [sflag:$0x2], $0x80, v3, vm0, $0xb8;
	[tilespmem:$0xE080] =	vst v63  }
0x4a: {  	_ = 	snop  }
0x4b: {  	[hbm4b:s5+s2] =	stream.indirect_vreg.scatter [tilespmem:s17], [sflag:$0x2], $0x80, v3, vm0, $0xb8;
	[tilespmem:$0xE080] =	vst v63  }
0x4c: {  	v3 =	vld [tilespmem:$0x20];
	_ =	sdelay $0x4  }
0x4d: {  	v62 =	vshrl.u32 v3, $0x3  }
0x4e: {  	v4 =	vmul.u32 $0x30, v62  }
0x4f: {  	v3 =	vand.u32 $0x7, v3  }
0x50: {  	v3 =	vor.u32 v3, v4  }
0x51: {  	v4 =	vperm.xlane v3, v0;
	_ =	sdelay $0x1  }
0x52: {  	v4 =	vadd.s32 v1, v4;
	_ =	sdelay $0x3  }
0x53: {  	v3 =	vperm.xlane v3, v2  }
0x54: {  	[hbm4b:s3+s2] =	stream.indirect_vreg.scatter [tilespmem:s18], [sflag:$0x2], $0x80, v4, vm0, $0xb8;
	[tilespmem:$0xE080] =	vst v63  }
0x55: {  	v3 =	vadd.s32 v1, v3  }
0x56: {  	[hbm4b:s4+s2] =	stream.indirect_vreg.scatter [tilespmem:s19], [sflag:$0x2], $0x80, v4, vm0, $0xb8;
	[tilespmem:$0xE080] =	vst v63  }
0x57: {  	_ = 	snop  }
0x58: {  	[hbm4b:s5+s2] =	stream.indirect_vreg.scatter [tilespmem:s20], [sflag:$0x2], $0x80, v4, vm0, $0xb8;
	[tilespmem:$0xE080] =	vst v63  }
0x59: {  	_ = 	snop  }
0x5a: {  	[hbm4b:s3+s2] =	stream.indirect_vreg.scatter [tilespmem:s21], [sflag:$0x2], $0x80, v3, vm0, $0xb8;
	[tilespmem:$0xE080] =	vst v63  }
0x5b: {  	_ = 	snop  }
0x5c: {  	[hbm4b:s4+s2] =	stream.indirect_vreg.scatter [tilespmem:s22], [sflag:$0x2], $0x80, v3, vm0, $0xb8;
	[tilespmem:$0xE080] =	vst v63  }
0x5d: {  	_ = 	snop  }
0x5e: {  	[hbm4b:s5+s2] =	stream.indirect_vreg.scatter [tilespmem:s23], [sflag:$0x2], $0x80, v3, vm0, $0xb8;
	[tilespmem:$0xE080] =	vst v63  }
0x5f: {  	v3 =	vld [tilespmem:$0x30];
	_ =	sdelay $0x4  }
0x60: {  	v63 =	vshrl.u32 v3, $0x3  }
0x61: {  	v4 =	vmul.u32 $0x30, v63  }
0x62: {  	v3 =	vand.u32 $0x7, v3  }
0x63: {  	v3 =	vor.u32 v3, v4  }
0x64: {  	v4 =	vperm.xlane v3, v0;
	_ =	sdelay $0x1  }
0x65: {  	v4 =	vadd.s32 v1, v4;
	_ =	sdelay $0x3  }
0x66: {  	v3 =	vperm.xlane v3, v2  }
0x67: {  	[hbm4b:s3+s2] =	stream.indirect_vreg.scatter [tilespmem:s24], [sflag:$0x2], $0x80, v4, vm0, $0xb8;
	[tilespmem:$0xE080] =	vst v63  }
0x68: {  	v3 =	vadd.s32 v1, v3  }
0x69: {  	[hbm4b:s4+s2] =	stream.indirect_vreg.scatter [tilespmem:s25], [sflag:$0x2], $0x80, v4, vm0, $0xb8;
	[tilespmem:$0xE080] =	vst v63  }
0x6a: {  	_ = 	snop  }
0x6b: {  	[hbm4b:s5+s2] =	stream.indirect_vreg.scatter [tilespmem:s26], [sflag:$0x2], $0x80, v4, vm0, $0xb8;
	[tilespmem:$0xE080] =	vst v63  }
0x6c: {  	_ = 	snop  }
0x6d: {  	[hbm4b:s3+s2] =	stream.indirect_vreg.scatter [tilespmem:s28], [sflag:$0x2], $0x80, v3, vm0, $0xb8;
	[tilespmem:$0xE080] =	vst v63  }
0x6e: {  	_ = 	snop  }
0x6f: {  	[hbm4b:s4+s2] =	stream.indirect_vreg.scatter [tilespmem:s29], [sflag:$0x2], $0x80, v3, vm0, $0xb8;
	[tilespmem:$0xE080] =	vst v63  }
0x70: {  	_ = 	snop  }
0x71: {  	[hbm4b:s5+s2] =	stream.indirect_vreg.scatter [tilespmem:s30], [sflag:$0x2], $0x80, v3, vm0, $0xb8;
	[tilespmem:$0xE080] =	vst v63  }
0x72: {  	s10 =	rddreg [dreg:$0x4]  }
0x73: {  	[hbm4b:s10+s31] =	stream.indirect.scatter [tilespmem:s8], [sflag:$0x2], $0x80, s2, s31, $0xb8;
	[tilespmem:$0xE080] =	vst v63  }
0x74: {  	p0 =	sne.s32 s6, $0x1;
	_ =	swait.ge [sflag:s0], $0xC000  }
.Ltmp0:
0x75: {  	[sflag:s0] =	ssyncset.done $0x0;
	(pc) =	sbr.rel @p0 .LBB2_1-.Ltmp0, $4  }
0x76: {  	[sflag:s0] =	ssyncadd.s32 $0xFFFF4000  }
0x77: {  	_ =	swait.ge [sflag:s0], $0x2000  }
0x78: {  	[sflag:s0] =	ssyncset.done $0x0  }
0x79: {  	s6 =	sadd.s32 $0xFFFFFFFF, s6;
	[sflag:s0] =	ssyncadd.s32 $0xFFFFE000  }
0x7a: {  	_ =	sfence.sel $0x180000  }
0x7b: {  	[bflag:$0x0] =	sbarrier.arrive $0xFFFF  }
0x7c: {  	_ =	strace $0x90000047  }
0x7d: {  	s0 =	stileid.u32;
	[bflag:$0x2] =	sbarrier.arrive $0xFFFF  }
0x7e: {  	p0 =	sne.s32 s0, $0x0;
	s0 =	rddreg [dreg:$0x3]  }
0x7f: {  	s0 =	sadd.s32 @!p0 $0x100000, s0  }
0x80: {  	[sflag:s0] =	ssyncadd.tile.s32 @!p0 $0x1;
	_ =	shalt  }
.Lfunc_end2:
_tile_overlayer_lowered:
.L_overlay_start_2:
0x81: {  	(tag) =	ssettag $0x2  }
0x82: {  	s0 =	rddreg [dreg:$0x0];
	s2 =	stileid.u32  }
0x83: {  	s1 =	rddreg [dreg:$0x1];
	p0 =	sne.s32 s2, $0x0  }
0x84: {  	s3 =	rddreg [dreg:$0x2];
	[bflag:$0x3] =	sbarrier.arrive $0xFFFF;
	s2 =	simm.s32 @!p0 $0x1C03  }
0x85: {  	[timem:s3], [sflag:s2] =	dma.local @!p0 [hbm:s0], s1  }
0x86: {  	s0 =	simm.s32 @!p0 $0x3  }
0x87: {  	_ =	swait.ge @!p0 [sflag:s0], s1  }
0x88: {  	s1 =	ssub.s32 @!p0 $0x0, s1;
	[sflag:s0] =	ssyncset.done @!p0 $0x0  }
0x89: {  	[sflag:s0] =	ssyncadd.s32 @!p0 s1  }
0x8a: {  	[bflag:$0x3] =	sbarrier.arrive $0xFFFF  }
0x8b: {  	_ =	shalt  }

// kernel: kernel.9.cloned.1.call-start
scs
__scs_entry_jumppad:
0x0: {  	(pc) =	sbr.rel $0x88, $3  }
0x1: {  	(tag) =	ssettag $0x0;
	lr =	simm.s32 $0x1  }
0x2: {  	[smem:$0x3F98] =	sst lr;
	_ =	strace $0xD0000000  }
0x3: {  	_ = 	snop  }
0x4: {  	_ = 	snop  }
0x5: {  	_ = 	snop  }
0x6: {  	_ = 	snop  }
0x7: {  	_ = 	snop  }
__scs_overlays_trampoline_lowered:
0x8: {  	[smem:$0x3FA7] =	sst s0  }
0x9: {  	[smem:$0x3FA8] =	sst s1  }
0xa: {  	[smem:$0x3FA9] =	sst s2  }
0xb: {  	[smem:$0x3FAA] =	sst s3  }
0xc: {  	[smem:$0x3FAB] =	sst s4  }
0xd: {  	[smem:$0x3FAC] =	sst s5  }
0xe: {  	[smem:$0x3FAD] =	sst s6  }
0xf: {  	[smem:$0x3FAE] =	sst s7  }
0x10: {  	[smem:$0x3FAF] =	sst s8  }
0x11: {  	[smem:$0x3FB0] =	sst s9;
	s0 =	simm.s32 @!p0 $0x0  }
0x12: {  	s1 =	sld [smem:$0x3F96];
	s0 =	simm.s32 @p0 $0x1  }
0x13: {  	[smem:$0x3FB1] =	sst s0;
	s0 =	simm.s32 @!p1 $0x0  }
0x14: {  	s2 =	sld [smem:$0x3F95];
	s0 =	simm.s32 @p1 $0x1  }
0x15: {  	[smem:$0x3FB2] =	sst s0;
	s0 =	simm.s32 @!p2 $0x0  }
0x16: {  	s3 =	sld [smem:$0x3FDB];
	s0 =	simm.s32 @p2 $0x1  }
0x17: {  	s4 =	simm.s32 $0x1BF5;
	[smem:$0x3FB4] =	sst s0  }
0x18: {  	s0 =	sld [smem:$0x3F97];
	_ =	swait.ge [sflag:s4], $0x0  }
0x19: {  	s7 =	sld [smem:$0x3F98]  }
0x1a: {  	s8 =	sadd.s32 $0xFFFFE003, lr  }
0x1b: {  	s9 =	sadd.s32 $0xFFFFFEF7, lr;
	s5 =	simm.s32 $0xFFFFFFFF;
	p2 =	slt.u32 s8, $0xFFFFF086  }
0x1c: {  	p1 =	slt.u32 s9, $0xF7A;
	s5 =	simm.s32 @!p2 $0x0  }
0x1d: {  	s5 =	simm.s32 @p1 $0x1;
	p0 =	seq.s32 s7, s2  }
0x1e: {  	s7 =	smul.u32 @!p0 $0xF7A, s2;
	p2 =	seq.s32 @!p0 s5, $0x0  }
0x1f: {  	s9 =	smul.u32 $0xF7A, s1;
	s8 =	simm.s32 @!p0 $0x1BF5;
	p2 =	por !p2, p0  }
0x20: {  	[sflag:s8] =	ssyncset.s32 @!p0 $0xFFFFF086;
	s6 =	sadd.s32 @!p0 s3, s7;
	s7 =	simm.s32 @!p0 $0x108  }
0x21: {  	s3 =	sadd.s32 s3, s9;
	s6 =	sadd.s32 @!p0 $0x88, s6;
	s7 =	simm.s32 @p2 $0x1082  }
0x22: {  	[simem:s7], [sflag:s8] =	dma.local @!p0 [hbm:s6], $0xF7A  }
0x23: {  	s9 =	sor.u32 $0xD0000000, s2;
	s6 =	simm.s32 $0x108;
	_ =	swait.ge @!p0 [sflag:s8], $0x0  }
0x24: {  	s3 =	sadd.s32 $0x88, s3;
	s6 =	simm.s32 @!p1 $0x1082;
	[sflag:s4] =	ssyncset.s32 $0xFFFFF086  }
0x25: {  	[simem:s6], [sflag:s4] =	dma.local [hbm:s3], $0xF7A  }
0x26: {  	[smem:$0x3F98] =	sst s1;
	(tag) =	ssettag s2;
	_ =	strace s9  }
0x27: {  	s1 =	sld [smem:$0x3FA8]  }
0x28: {  	s2 =	sld [smem:$0x3FA9]  }
0x29: {  	s4 =	sld [smem:$0x3FAB]  }
0x2a: {  	p0 =	seq.s32 s5, $0x0;
	s5 =	sld [smem:$0x3FAC]  }
0x2b: {  	s6 =	sld [smem:$0x3FAD]  }
0x2c: {  	s7 =	sld [smem:$0x3FAE]  }
0x2d: {  	s3 =	simm.s32 $0x108;
	s8 =	sld [smem:$0x3FAF]  }
0x2e: {  	s3 =	simm.s32 @!p0 $0x1082;
	s9 =	sld [smem:$0x3FB0]  }
0x2f: {  	lr =	sadd.s32 s0, s3;
	s0 =	sld [smem:$0x3FA7]  }
0x30: {  	s3 =	sld [smem:$0x3FAA]  }
0x31: {  	[smem:$0x3FB3] =	sst s10  }
0x32: {  	s10 =	sld [smem:$0x3FB1];
	_ =	sdelay $0x3  }
0x33: {  	p0 =	seq.s32 s10, $0x1;
	s10 =	sld [smem:$0x3FB3];
	_ =	sdelay $0x3  }
0x34: {  	[smem:$0x3FB3] =	sst s10  }
0x35: {  	s10 =	sld [smem:$0x3FB2];
	_ =	sdelay $0x3  }
0x36: {  	p1 =	seq.s32 s10, $0x1;
	s10 =	sld [smem:$0x3FB3];
	_ =	sdelay $0x3  }
0x37: {  	[smem:$0x3FB3] =	sst s10  }
0x38: {  	s10 =	sld [smem:$0x3FB4]  }
0x39: {  	_ = 	snop;
	(pc) =	sbr.ind lr, $3  }
0x3a: {  	_ = 	snop  }
0x3b: {  	_ = 	snop  }
0x3c: {  	p2 =	seq.s32 s10, $0x1;
	s10 =	sld [smem:$0x3FB3]  }
0x3d: {  	_ =	shalt  }
0x3e: {  	_ =	shalt  }
0x3f: {  	_ =	shalt  }
0x40: {  	_ =	shalt  }
0x41: {  	_ =	shalt  }
0x42: {  	_ =	shalt  }
0x43: {  	_ =	shalt  }
0x44: {  	_ =	shalt  }
0x45: {  	_ =	shalt  }
0x46: {  	_ =	shalt  }
0x47: {  	_ =	shalt  }
0x48: {  	_ =	shalt  }
0x49: {  	_ =	shalt  }
0x4a: {  	_ =	shalt  }
0x4b: {  	_ =	shalt  }
0x4c: {  	_ =	shalt  }
0x4d: {  	_ =	shalt  }
0x4e: {  	_ =	shalt  }
0x4f: {  	_ =	shalt  }
0x50: {  	_ =	shalt  }
0x51: {  	_ =	shalt  }
0x52: {  	_ =	shalt  }
0x53: {  	_ =	shalt  }
0x54: {  	_ =	shalt  }
0x55: {  	_ =	shalt  }
0x56: {  	_ =	shalt  }
0x57: {  	_ =	shalt  }
0x58: {  	_ =	shalt  }
0x59: {  	_ =	shalt  }
0x5a: {  	_ =	shalt  }
0x5b: {  	_ =	shalt  }
0x5c: {  	_ =	shalt  }
0x5d: {  	_ =	shalt  }
0x5e: {  	_ =	shalt  }
0x5f: {  	_ =	shalt  }
0x60: {  	_ =	shalt  }
0x61: {  	_ =	shalt  }
0x62: {  	_ =	shalt  }
0x63: {  	_ =	shalt  }
0x64: {  	_ =	shalt  }
0x65: {  	_ =	shalt  }
0x66: {  	_ =	shalt  }
0x67: {  	_ =	shalt  }
0x68: {  	_ =	shalt  }
0x69: {  	_ =	shalt  }
0x6a: {  	_ =	shalt  }
0x6b: {  	_ =	shalt  }
0x6c: {  	_ =	shalt  }
0x6d: {  	_ =	shalt  }
0x6e: {  	_ =	shalt  }
0x6f: {  	_ =	shalt  }
0x70: {  	_ =	shalt  }
0x71: {  	_ =	shalt  }
0x72: {  	_ =	shalt  }
0x73: {  	_ =	shalt  }
0x74: {  	_ =	shalt  }
0x75: {  	_ =	shalt  }
0x76: {  	_ =	shalt  }
0x77: {  	_ =	shalt  }
0x78: {  	_ =	shalt  }
0x79: {  	_ =	shalt  }
0x7a: {  	_ =	shalt  }
0x7b: {  	_ =	shalt  }
0x7c: {  	_ =	shalt  }
0x7d: {  	_ =	shalt  }
0x7e: {  	_ =	shalt  }
0x7f: {  	_ =	shalt  }
0x80: {  	_ =	shalt  }
0x81: {  	_ =	shalt  }
0x82: {  	_ =	shalt  }
0x83: {  	_ =	shalt  }
0x84: {  	_ =	shalt  }
0x85: {  	_ =	shalt  }
0x86: {  	_ =	shalt  }
0x87: {  	_ =	shalt  }
.Lfunc_end0:
.L_simem_size_0:
called_computation.1_lowered:
.L_overlay_start_0:
0x88: {  	s2 =	sld [smem:$0x3FD9]  }
0x89: {  	s3 =	sld [smem:$0x3FFE];
	_ =	sdelay $0x1  }
0x8a: {  	s1 =	srdreg.scid  }
0x8b: {  	s0 =	sand.u32 $0x1, s1  }
0x8c: {  	s17 =	sshll.u32 s0, $0xA;
	s2 =	sadd.s32 s3, s2  }
0x8d: {  	s2 =	sadd.s32 s2, s17  }
0x8e: {  	[smem:$0x3FBF] =	sst s2  }
0x8f: {  	_ = 	snop  }
0x90: {  	s2 =	sld [smem:$0x3FD0];
	(tm) =	ssettm $0x1  }
0x91: {  	s18 =	sld [smem:$0x3FFB];
	_ =	sdelay $0x3  }
0x92: {  	_ =	strace s18  }
0x93: {  	s3 =	sld [smem:$0x3FFC];
	_ =	sdelay $0x3  }
0x94: {  	_ =	strace s3  }
0x95: {  	s3 =	sld [smem:$0x3FFD];
	_ =	sdelay $0x3  }
0x96: {  	_ =	strace s3  }
0x97: {  	_ =	strace $0x8FFFFFFF  }
0x98: {  	s19 =	sld [smem:$0x3FDB];
	_ =	sdelay $0x1  }
0x99: {  	s4 =	simm.s32 $_scs_section_size  }
0x9a: {  	s5 =	simm.s32 $_size__tile_overlayer_lowered;
	s6 =	simm.s32 $_tile_overlayer_lowered  }
0x9b: {  	s22 =	simm.s32 $0x1BFF;
	s21 =	sshll.u32 s6, $0x1;
	s3 =	sadd.s32 s4, s19  }
0x9c: {  	s7 =	simm.s32 $0x0;
	s20 =	sshll.u32 s5, $0x1;
	s5 =	sadd.s32 s21, s3  }
0x9d: {  	[timem:s7], [sflag:s22] =	dma.local [hbm:s5], s20  }
0x9e: {  	_ =	swait.ge [sflag:s22], s20  }
0x9f: {  	s4 =	ssub.s32 $0x0, s20;
	[sflag:s22] =	ssyncset.done $0x0  }
0xa0: {  	[sflag:s22] =	ssyncadd.s32 s4;
	_ =	sdelay $0x1  }
0xa1: {  	s23 =	simm.s32 $0x1B8B  }
0xa2: {  	_ =	swait.ge [sflag:s23], $0x1  }
0xa3: {  	[sflag:s23] =	ssyncset.done $0x0  }
0xa4: {  	s25 =	simm.s32 $0x1B8E;
	s24 =	sld [smem:$0x3FFE];
	[sflag:s23] =	ssyncadd.s32 $0xFFFFFFFF  }
0xa5: {  	s26 =	simm.s32 $execute0_lowered;
	[smem:$0x3FD2] =	sst s25  }
0xa6: {  	s5 =	sshll.u32 s26, $0x1;
	_ =	strace $0x80000049;
	[dreg:$0x1] =	wrdreg $0xFFFFFFFF  }
0xa7: {  	s28 =	simm.s32 $_size_execute0_lowered;
	s3 =	sadd.s32 s3, s5;
	[dreg:$0x0] =	wrdreg $0x0  }
0xa8: {  	s5 =	sshll.u32 s28, $0x1;
	[dreg:$0x2] =	wrdreg s3  }
0xa9: {  	[dreg:$0x3] =	wrdreg s5  }
0xaa: {  	[dreg:$0x4] =	wrdreg $0xC0  }
0xab: {  	_ =	task [dreg:s7], $0x5FFFF  }
0xac: {  	[dreg:$0x1] =	wrdreg $0xFFFFFFFF  }
0xad: {  	[dreg:$0x0] =	wrdreg $0x60  }
0xae: {  	[dreg:$0x2] =	wrdreg s24  }
0xaf: {  	[dreg:$0x3] =	wrdreg s2  }
0xb0: {  	[dreg:$0x4] =	wrdreg $0x9  }
0xb1: {  	_ =	task.clear_ibuf [dreg:s7], $0x5FFFF;
	_ =	strace $0x90000049  }
0xb2: {  	s29 =	simm.s32 $0x9;
	_ =	strace $0x8000004B  }
0xb3: {  	_ =	swait.ge [sflag:s29], $0x1  }
0xb4: {  	[sflag:s29] =	ssyncadd.s32 $0xFFFFFFFF  }
0xb5: {  	_ =	strace $0x9000004B  }
0xb6: {  	_ =	sfence  }
0xb7: {  	s30 =	sld [smem:$0x0];
	_ =	sdelay $0x2  }
0xb8: {  	s31 =	sshll.u32 s1, $0xD;
	s1 =	sshrl.u32 s1, $0x2  }
0xb9: {  	s3 =	sand.u32 $0x4000, s31;
	s1 =	sadd.s32 s1, s30  }
0xba: {  	s0 =	sor.u32 s3, s0;
	s1 =	sshll.u32 s1, $0x11  }
0xbb: {  	s0 =	sor.u32 s1, s0  }
0xbc: {  	s0 =	sadd.s32 $0x8F2B, s0  }
0xbd: {  	[sflag:s0] =	ssyncadd.remote.s32 $0x1  }
0xbe: {  	_ =	sfence.sel $0xFFFF  }
0xbf: {  	[dreg:$0x0] =	wrdreg $0xFFFFFFFF;
	(pc) =	sbr.abs _section_cstart, $3  }
0xc0: {  	[dreg:$0x1] =	wrdreg $0xFFFFFFFF  }
0xc1: {  	_ =	task.clear_ibuf [dreg:s7], $0x2FFFF;
	_ =	strace $0x9FFFFFFF  }
0xc2: {  	(tm) =	ssettm $0x7FFFFFFF  }
0xc3: {  	_ =	shalt  }
tec
execute0_lowered:
.L_overlay_start_1:
0x0: {  	(tag) =	ssettag $0x1  }
0x1: {  	s0 =	rddreg [dreg:$0x0]  }
0x2: {  	s5 =	rddreg [dreg:$0x1];
	s3 =	srdreg.scid  }
0x3: {  	s2 =	simm.s32 $0x0;
	s1 =	stileid.u32;
	s26 =	simm.s32 $0x880  }
0x4: {  	s10 =	simm.s32 $0x1880;
	s11 =	simm.s32 $0x2080;
	s12 =	simm.s32 $0x2880  }
0x5: {  	s13 =	simm.s32 $0x3080;
	s14 =	simm.s32 $0x3880;
	s15 =	simm.s32 $0x4080  }
0x6: {  	s16 =	simm.s32 $0x4880;
	s17 =	simm.s32 $0x5080;
	s18 =	simm.s32 $0x5880  }
0x7: {  	s19 =	simm.s32 $0x6080;
	s20 =	simm.s32 $0x6880;
	s21 =	simm.s32 $0x7080  }
0x8: {  	s22 =	simm.s32 $0x7880;
	s28 =	simm.s32 $0xA080;
	s29 =	simm.s32 $0xA880  }
0x9: {  	s30 =	simm.s32 $0xB080;
	s31 =	simm.s32 $0xB880;
	s3 =	sand.u32 $0x1, s3  }
0xa: {  	[smem:$0x7FF] =	sst s2;
	s4 =	sshll.u32 s1, $0x4;
	s6 =	sshll.u32 s3, $0x3  }
0xb: {  	_ =	strace $0x8000004A;
	s23 =	ssub.s32 $0x2, s3;
	s3 =	sadd.s32 $0x64400, s0  }
0xc: {  	[dreg:$0x5] =	wrdreg s26;
	s26 =	simm.s32 $0x9880;
	s4 =	sor.u32 s6, s4  }
0xd: {  	s8 =	sshrl.u32 s23, $0x1;
	s7 =	sadd.s32 s4, s0;
	s9 =	smul.u32 $0x300, s4  }
0xe: {  	s6 =	ssub.s32 s23, s8;
	s4 =	sadd.s32 $0x64500, s0;
	s8 =	simm.s32 $0x80  }
0xf: {  	s23 =	simm.s32 $0x8080;
	s24 =	sadd.s32 $0x9E00, s7;
	s6 =	smax.u32 s6, $0x1  }
0x10: {  	v2 =	vlaneseq.u32;
	s7 =	simm.s32 $0x2;
	[dreg:$0x3] =	wrdreg s24;
	s25 =	sadd.s32 s5, s9  }
0x11: {  	vm0 =	vmmov $0xffff;
	v1 =	vshrl.u32 v2, $0x3;
	s5 =	sadd.s32 $0x64600, s0;
	s9 =	simm.s32 $0x1080;
	s24 =	simm.s32 $0x8880  }
0x12: {  	v0 =	vand.u32 $0x7, v2;
	v2 =	vor.u32 $0x8, v2;
	v1 =	vmul.u32 $0x8, v1;
	s0 =	simm.s32 $0x1;
	[dreg:$0x4] =	wrdreg s25;
	s25 =	simm.s32 $0x9080  }
.LBB2_1:
0x13: {  	s1 =	rddreg [dreg:$0x3]  }
0x14: {  	[tilespmem:s2], [sflag:$0x2] =	stream.linear.gather [hbm4b:s1+s2], $0x40, $0x38;
	[tilespmem:$0xC080] =	vst v63  }
0x15: {  	_ =	swait.ge [sflag:s7], $0x40  }
0x16: {  	[sflag:s7] =	ssyncset.done $0x0  }
0x17: {  	[sflag:s7] =	ssyncadd.s32 $0xFFFFFFC0  }
0x18: {  	v3 =	vld [tilespmem:$0x0];
	_ =	sdelay $0x4  }
0x19: {  	v4 =	vshrl.u32 v3, $0x3  }
0x1a: {  	v4 =	vmul.u32 $0x30, v4  }
0x1b: {  	v3 =	vand.u32 $0x7, v3  }
0x1c: {  	v3 =	vor.u32 v3, v4  }
0x1d: {  	v4 =	vperm.xlane v3, v0;
	_ =	sdelay $0x1  }
0x1e: {  	v4 =	vadd.s32 v1, v4;
	_ =	sdelay $0x3  }
0x1f: {  	v3 =	vperm.xlane v3, v2  }
0x20: {  	[tilespmem:s8], [sflag:$0x1] =	stream.indirect_vreg.gather [hbm4b:s3+s2], $0x80, v4, vm0, $0xb8;
	[tilespmem:$0xC080] =	vst v63  }
0x21: {  	s1 =	rddreg [dreg:$0x5];
	v3 =	vadd.s32 v1, v3  }
0x22: {  	[tilespmem:s1], [sflag:$0x1] =	stream.indirect_vreg.gather [hbm4b:s4+s2], $0x80, v4, vm0, $0xb8;
	[tilespmem:$0xC080] =	vst v63  }
0x23: {  	_ = 	snop  }
0x24: {  	[tilespmem:s9], [sflag:$0x1] =	stream.indirect_vreg.gather [hbm4b:s5+s2], $0x80, v4, vm0, $0xb8;
	[tilespmem:$0xC080] =	vst v63  }
0x25: {  	_ = 	snop  }
0x26: {  	[tilespmem:s10], [sflag:$0x1] =	stream.indirect_vreg.gather [hbm4b:s3+s2], $0x80, v3, vm0, $0xb8;
	[tilespmem:$0xC080] =	vst v63  }
0x27: {  	_ = 	snop  }
0x28: {  	[tilespmem:s11], [sflag:$0x1] =	stream.indirect_vreg.gather [hbm4b:s4+s2], $0x80, v3, vm0, $0xb8;
	[tilespmem:$0xC080] =	vst v63  }
0x29: {  	_ = 	snop  }
0x2a: {  	[tilespmem:s12], [sflag:$0x1] =	stream.indirect_vreg.gather [hbm4b:s5+s2], $0x80, v3, vm0, $0xb8;
	[tilespmem:$0xC080] =	vst v63  }
0x2b: {  	v3 =	vld [tilespmem:$0x10];
	_ =	sdelay $0x4  }
0x2c: {  	v61 =	vshrl.u32 v3, $0x3  }
0x2d: {  	v4 =	vmul.u32 $0x30, v61  }
0x2e: {  	v3 =	vand.u32 $0x7, v3  }
0x2f: {  	v3 =	vor.u32 v3, v4  }
0x30: {  	v4 =	vperm.xlane v3, v0;
	_ =	sdelay $0x1  }
0x31: {  	v4 =	vadd.s32 v1, v4;
	_ =	sdelay $0x3  }
0x32: {  	v3 =	vperm.xlane v3, v2  }
0x33: {  	[tilespmem:s13], [sflag:$0x1] =	stream.indirect_vreg.gather [hbm4b:s3+s2], $0x80, v4, vm0, $0xb8;
	[tilespmem:$0xC080] =	vst v63  }
0x34: {  	v3 =	vadd.s32 v1, v3  }
0x35: {  	[tilespmem:s14], [sflag:$0x1] =	stream.indirect_vreg.gather [hbm4b:s4+s2], $0x80, v4, vm0, $0xb8;
	[tilespmem:$0xC080] =	vst v63  }
0x36: {  	_ = 	snop  }
0x37: {  	[tilespmem:s15], [sflag:$0x1] =	stream.indirect_vreg.gather [hbm4b:s5+s2], $0x80, v4, vm0, $0xb8;
	[tilespmem:$0xC080] =	vst v63  }
0x38: {  	_ = 	snop  }
0x39: {  	[tilespmem:s16], [sflag:$0x1] =	stream.indirect_vreg.gather [hbm4b:s3+s2], $0x80, v3, vm0, $0xb8;
	[tilespmem:$0xC080] =	vst v63  }
0x3a: {  	_ = 	snop  }
0x3b: {  	[tilespmem:s17], [sflag:$0x1] =	stream.indirect_vreg.gather [hbm4b:s4+s2], $0x80, v3, vm0, $0xb8;
	[tilespmem:$0xC080] =	vst v63  }
0x3c: {  	_ = 	snop  }
0x3d: {  	[tilespmem:s18], [sflag:$0x1] =	stream.indirect_vreg.gather [hbm4b:s5+s2], $0x80, v3, vm0, $0xb8;
	[tilespmem:$0xC080] =	vst v63  }
0x3e: {  	v3 =	vld [tilespmem:$0x20];
	_ =	sdelay $0x4  }
0x3f: {  	v62 =	vshrl.u32 v3, $0x3  }
0x40: {  	v4 =	vmul.u32 $0x30, v62  }
0x41: {  	v3 =	vand.u32 $0x7, v3  }
0x42: {  	v3 =	vor.u32 v3, v4  }
0x43: {  	v4 =	vperm.xlane v3, v0;
	_ =	sdelay $0x1  }
0x44: {  	v4 =	vadd.s32 v1, v4;
	_ =	sdelay $0x3  }
0x45: {  	v3 =	vperm.xlane v3, v2  }
0x46: {  	[tilespmem:s19], [sflag:$0x1] =	stream.indirect_vreg.gather [hbm4b:s3+s2], $0x80, v4, vm0, $0xb8;
	[tilespmem:$0xC080] =	vst v63  }
0x47: {  	v3 =	vadd.s32 v1, v3  }
0x48: {  	[tilespmem:s20], [sflag:$0x1] =	stream.indirect_vreg.gather [hbm4b:s4+s2], $0x80, v4, vm0, $0xb8;
	[tilespmem:$0xC080] =	vst v63  }
0x49: {  	_ = 	snop  }
0x4a: {  	[tilespmem:s21], [sflag:$0x1] =	stream.indirect_vreg.gather [hbm4b:s5+s2], $0x80, v4, vm0, $0xb8;
	[tilespmem:$0xC080] =	vst v63  }
0x4b: {  	_ = 	snop  }
0x4c: {  	[tilespmem:s22], [sflag:$0x1] =	stream.indirect_vreg.gather [hbm4b:s3+s2], $0x80, v3, vm0, $0xb8;
	[tilespmem:$0xC080] =	vst v63  }
0x4d: {  	_ = 	snop  }
0x4e: {  	[tilespmem:s23], [sflag:$0x1] =	stream.indirect_vreg.gather [hbm4b:s4+s2], $0x80, v3, vm0, $0xb8;
	[tilespmem:$0xC080] =	vst v63  }
0x4f: {  	_ = 	snop  }
0x50: {  	[tilespmem:s24], [sflag:$0x1] =	stream.indirect_vreg.gather [hbm4b:s5+s2], $0x80, v3, vm0, $0xb8;
	[tilespmem:$0xC080] =	vst v63  }
0x51: {  	v3 =	vld [tilespmem:$0x30];
	_ =	sdelay $0x4  }
0x52: {  	v63 =	vshrl.u32 v3, $0x3  }
0x53: {  	v4 =	vmul.u32 $0x30, v63  }
0x54: {  	v3 =	vand.u32 $0x7, v3  }
0x55: {  	v3 =	vor.u32 v3, v4  }
0x56: {  	v4 =	vperm.xlane v3, v0;
	_ =	sdelay $0x1  }
0x57: {  	v4 =	vadd.s32 v1, v4;
	_ =	sdelay $0x3  }
0x58: {  	v3 =	vperm.xlane v3, v2  }
0x59: {  	[tilespmem:s25], [sflag:$0x1] =	stream.indirect_vreg.gather [hbm4b:s3+s2], $0x80, v4, vm0, $0xb8;
	[tilespmem:$0xC080] =	vst v63  }
0x5a: {  	v3 =	vadd.s32 v1, v3  }
0x5b: {  	[tilespmem:s26], [sflag:$0x1] =	stream.indirect_vreg.gather [hbm4b:s4+s2], $0x80, v4, vm0, $0xb8;
	[tilespmem:$0xC080] =	vst v63  }
0x5c: {  	_ = 	snop  }
0x5d: {  	[tilespmem:s28], [sflag:$0x1] =	stream.indirect_vreg.gather [hbm4b:s5+s2], $0x80, v4, vm0, $0xb8;
	[tilespmem:$0xC080] =	vst v63  }
0x5e: {  	_ = 	snop  }
0x5f: {  	[tilespmem:s29], [sflag:$0x1] =	stream.indirect_vreg.gather [hbm4b:s3+s2], $0x80, v3, vm0, $0xb8;
	[tilespmem:$0xC080] =	vst v63  }
0x60: {  	_ = 	snop  }
0x61: {  	[tilespmem:s30], [sflag:$0x1] =	stream.indirect_vreg.gather [hbm4b:s4+s2], $0x80, v3, vm0, $0xb8;
	[tilespmem:$0xC080] =	vst v63  }
0x62: {  	_ = 	snop  }
0x63: {  	[tilespmem:s31], [sflag:$0x1] =	stream.indirect_vreg.gather [hbm4b:s5+s2], $0x80, v3, vm0, $0xb8;
	[tilespmem:$0xC080] =	vst v63  }
0x64: {  	_ =	swait.ge [sflag:s0], $0xC000  }
0x65: {  	p0 =	sne.s32 s6, $0x1;
	[sflag:s0] =	ssyncset.done $0x0  }
.Ltmp0:
0x66: {  	s1 =	rddreg [dreg:$0x4];
	[sflag:s0] =	ssyncadd.s32 $0xFFFF4000;
	(pc) =	sbr.rel @p0 .LBB2_1-.Ltmp0, $4  }
0x67: {  	[hbm4b:s1+s2] =	stream.linear.scatter [tilespmem:s8], [sflag:$0x2], $0xC000, $0x38;
	[tilespmem:$0xC080] =	vst v63  }
0x68: {  	_ =	swait.ge [sflag:s7], $0xC000  }
0x69: {  	[sflag:s7] =	ssyncset.done $0x0  }
0x6a: {  	s6 =	sadd.s32 $0xFFFFFFFF, s6;
	[sflag:s7] =	ssyncadd.s32 $0xFFFF4000  }
0x6b: {  	_ =	sfence.sel $0x180000  }
0x6c: {  	[bflag:$0x0] =	sbarrier.arrive $0xFFFF  }
0x6d: {  	_ =	strace $0x9000004A  }
0x6e: {  	s0 =	stileid.u32;
	[bflag:$0x2] =	sbarrier.arrive $0xFFFF  }
0x6f: {  	p0 =	sne.s32 s0, $0x0;
	s0 =	rddreg [dreg:$0x2]  }
0x70: {  	s0 =	sadd.s32 @!p0 $0x100000, s0  }
0x71: {  	[sflag:s0] =	ssyncadd.tile.s32 @!p0 $0x1;
	_ =	shalt  }
.Lfunc_end2:
_tile_overlayer_lowered:
.L_overlay_start_2:
0x72: {  	(tag) =	ssettag $0x2  }
0x73: {  	s0 =	rddreg [dreg:$0x0];
	s2 =	stileid.u32  }
0x74: {  	s1 =	rddreg [dreg:$0x1];
	p0 =	sne.s32 s2, $0x0  }
0x75: {  	s3 =	rddreg [dreg:$0x2];
	[bflag:$0x3] =	sbarrier.arrive $0xFFFF;
	s2 =	simm.s32 @!p0 $0x1C02  }
0x76: {  	[timem:s3], [sflag:s2] =	dma.local @!p0 [hbm:s0], s1  }
0x77: {  	s0 =	simm.s32 @!p0 $0x2  }
0x78: {  	_ =	swait.ge @!p0 [sflag:s0], s1  }
0x79: {  	s1 =	ssub.s32 @!p0 $0x0, s1;
	[sflag:s0] =	ssyncset.done @!p0 $0x0  }
0x7a: {  	[sflag:s0] =	ssyncadd.s32 @!p0 s1  }
0x7b: {  	[bflag:$0x3] =	sbarrier.arrive $0xFFFF  }
0x7c: {  	_ =	shalt  }

</sc_bundles>
